<compile_context>
chip_gen: v7x
topology: tpu7x:2x2x1
jax: 0.10.2.dev20260603
libtpu: 0.0.44.dev20260713+nightly
codegen_flags: <defaults>
</compile_context>

<pallas_src>
import functools

import jax
import jax.numpy as jnp
from jax import lax
from jax.experimental import pallas as pl
from jax.experimental.pallas import tpu as pltpu
from jax.experimental.pallas import tpu_sc as plsc

_CH = 8
_K = 3
_L = 2


def _sc_copy(nc, rows_per_w, n_chunks, x_hbm, o_hbm, buf0, buf1, buf2, lsem, ssem):
    wid = lax.axis_index("s") * nc + lax.axis_index("c")
    base = wid * rows_per_w
    bufs = (buf0, buf1, buf2)

    def load(c):
        return pltpu.async_copy(
            x_hbm.at[pl.ds(base + c * _CH, _CH), :], bufs[c % _K], lsem.at[c % _K]
        )

    def store(c):
        return pltpu.async_copy(
            bufs[c % _K], o_hbm.at[pl.ds(base + c * _CH, _CH), :], ssem.at[c % _K]
        )

    load_h = {}
    store_h = {}
    for c in range(min(_L, n_chunks)):
        load_h[c] = load(c)
    for c in range(n_chunks):
        lc = c + _L
        if lc < n_chunks:
            pc = lc - _K
            if pc >= 0:
                store_h[pc].wait()
            load_h[lc] = load(lc)
        load_h[c].wait()
        store_h[c] = store(c)
    for c in range(max(0, n_chunks - _K), n_chunks):
        store_h[c].wait()


def kernel(x):
    b, c, f = x.shape
    rows = b * c
    x2 = x.reshape(rows, f)

    info = plsc.get_sparse_core_info()
    nc, ns = info.num_cores, info.num_subcores
    nw = nc * ns
    rows_per_w = rows // nw
    n_chunks = rows_per_w // _CH

    mesh = plsc.VectorSubcoreMesh(core_axis_name="c", subcore_axis_name="s")
    out = pl.kernel(
        functools.partial(_sc_copy, nc, rows_per_w, n_chunks),
        out_type=jax.ShapeDtypeStruct((rows, f), x.dtype),
        mesh=mesh,
        scratch_types=[
            pltpu.VMEM((_CH, f), x.dtype),
            pltpu.VMEM((_CH, f), x.dtype),
            pltpu.VMEM((_CH, f), x.dtype),
            pltpu.SemaphoreType.DMA((_K,)),
            pltpu.SemaphoreType.DMA((_K,)),
        ],
    )(x2)
    return out.reshape(b, c, f)

# --- scband reference (transcript-rebuilt; emitter-appended) ---
"""Pipeline reference for scband-connector-31593779429809 (READ-ONLY COPY).

The authoritative reference and input builder live on the scoring server;
editing this copy changes nothing except your own understanding.
"""

import jax, jax.numpy as jnp
import numpy as np

INPUT_SEMANTICS = ["c%d" % i for i in range(64)]


def setup_inputs(seed: int = 0) -> dict:
    key = jax.random.key(seed)
    x = jax.random.normal(key, (64, 64, 4096), dtype=jnp.float32)
    return {"x": x}


def reference(x):
    # Faithful translation of Connector.forward: x[:, indices, :]
    # indices = [input_semantics.index(s) for s in input_semantics]
    indices = jnp.array([INPUT_SEMANTICS.index(s) for s in INPUT_SEMANTICS], dtype=jnp.int32)
    return jnp.take(x, indices, axis=1)

if __name__ == "__main__":
    import jax
    _d = setup_inputs()
    print(jax.jit(kernel)(*tuple(_d.values())))

</pallas_src>

<mosaic_0001>
#map = affine_map<(d0, d1) -> (0, 0)>
module attributes {stable_mosaic.version = 14 : i64} {
  func.func @_sc_copy(%arg0: i32, %arg1: i32, %arg2: memref<4096x4096xf32, #tpu.memory_space<hbm>>, %arg3: memref<4096x4096xf32, #tpu.memory_space<hbm>>, %arg4: memref<8x4096xf32, #tpu.memory_space<vmem>>, %arg5: memref<8x4096xf32, #tpu.memory_space<vmem>>, %arg6: memref<8x4096xf32, #tpu.memory_space<vmem>>, %arg7: memref<3x!tpu.dma_semaphore, #tpu.memory_space<semaphore_mem>>, %arg8: memref<3x!tpu.dma_semaphore, #tpu.memory_space<semaphore_mem>>) attributes {dimension_semantics = [#tpu.dimension_semantics<core_parallel>, #tpu.dimension_semantics<subcore_parallel>], iteration_bounds = array<i64: 2, 16>, scalar_prefetch = 0 : i64, scratch_operands = 5 : i64, tpu.core_type = #tpu.core_type<sc_vector_subcore>, window_params = [{transform_indices = #map}, {transform_indices = #map}]} {
    %mul3A = arith.constant 2 : i32
    %mul3A_0 = arith.muli %arg1, %mul3A : i32
    %add3A = arith.addi %mul3A_0, %arg0 : i32
    %mul3A_1 = arith.constant 128 : i32
    %mul3A_2 = arith.muli %add3A, %mul3A_1 : i32
    %add3A_3 = arith.constant 0 : i32
    %add3A_4 = arith.addi %mul3A_2, %add3A_3 : i32
    %dma_start3A = arith.constant 0 : i32
    %dma_start3A_5 = arith.constant 0 : i32
    %dma_start3A_6 = tpu.memref_slice %arg2[%add3A_4, %dma_start3A_5] : memref<4096x4096xf32, #tpu.memory_space<hbm>> -> memref<8x4096xf32, #tpu.memory_space<hbm>>
    %dma_start3A_7 = tpu.memref_slice %arg7[%dma_start3A] : memref<3x!tpu.dma_semaphore, #tpu.memory_space<semaphore_mem>> -> memref<1x!tpu.dma_semaphore, #tpu.memory_space<semaphore_mem>>
    %dma_start3A_8 = tpu.memref_squeeze %dma_start3A_7 : memref<1x!tpu.dma_semaphore, #tpu.memory_space<semaphore_mem>> -> memref<!tpu.dma_semaphore, #tpu.memory_space<semaphore_mem>>
    %dma_start3A_9 = arith.constant 0 : i32
    %dma_start3A_10 = tpu.memref_slice %arg2[%add3A_4, %dma_start3A_9] : memref<4096x4096xf32, #tpu.memory_space<hbm>> -> memref<8x4096xf32, #tpu.memory_space<hbm>>
    tpu.enqueue_dma source(%dma_start3A_10 : memref<8x4096xf32, #tpu.memory_space<hbm>>) target(%arg4 : memref<8x4096xf32, #tpu.memory_space<vmem>>) target_semaphore(%dma_start3A_8 : memref<!tpu.dma_semaphore, #tpu.memory_space<semaphore_mem>>)
    %add3A_11 = arith.constant 8 : i32
    %add3A_12 = arith.addi %mul3A_2, %add3A_11 : i32
    %dma_start3A_13 = arith.constant 1 : i32
    %dma_start3A_14 = arith.constant 0 : i32
    %dma_start3A_15 = tpu.memref_slice %arg2[%add3A_12, %dma_start3A_14] : memref<4096x4096xf32, #tpu.memory_space<hbm>> -> memref<8x4096xf32, #tpu.memory_space<hbm>>
    %dma_start3A_16 = tpu.memref_slice %arg7[%dma_start3A_13] : memref<3x!tpu.dma_semaphore, #tpu.memory_space<semaphore_mem>> -> memref<1x!tpu.dma_semaphore, #tpu.memory_space<semaphore_mem>>
    %dma_start3A_17 = tpu.memref_squeeze %dma_start3A_16 : memref<1x!tpu.dma_semaphore, #tpu.memory_space<semaphore_mem>> -> memref<!tpu.dma_semaphore, #tpu.memory_space<semaphore_mem>>
    %dma_start3A_18 = arith.constant 0 : i32
    %dma_start3A_19 = tpu.memref_slice %arg2[%add3A_12, %dma_start3A_18] : memref<4096x4096xf32, #tpu.memory_space<hbm>> -> memref<8x4096xf32, #tpu.memory_space<hbm>>
    tpu.enqueue_dma source(%dma_start3A_19 : memref<8x4096xf32, #tpu.memory_space<hbm>>) target(%arg5 : memref<8x4096xf32, #tpu.memory_space<vmem>>) target_semaphore(%dma_start3A_17 : memref<!tpu.dma_semaphore, #tpu.memory_space<semaphore_mem>>)
    %add3A_20 = arith.constant 16 : i32
    %add3A_21 = arith.addi %mul3A_2, %add3A_20 : i32
    %dma_start3A_22 = arith.constant 2 : i32
    %dma_start3A_23 = arith.constant 0 : i32
    %dma_start3A_24 = tpu.memref_slice %arg2[%add3A_21, %dma_start3A_23] : memref<4096x4096xf32, #tpu.memory_space<hbm>> -> memref<8x4096xf32, #tpu.memory_space<hbm>>
    %dma_start3A_25 = tpu.memref_slice %arg7[%dma_start3A_22] : memref<3x!tpu.dma_semaphore, #tpu.memory_space<semaphore_mem>> -> memref<1x!tpu.dma_semaphore, #tpu.memory_space<semaphore_mem>>
    %dma_start3A_26 = tpu.memref_squeeze %dma_start3A_25 : memref<1x!tpu.dma_semaphore, #tpu.memory_space<semaphore_mem>> -> memref<!tpu.dma_semaphore, #tpu.memory_space<semaphore_mem>>
    %dma_start3A_27 = arith.constant 0 : i32
    %dma_start3A_28 = tpu.memref_slice %arg2[%add3A_21, %dma_start3A_27] : memref<4096x4096xf32, #tpu.memory_space<hbm>> -> memref<8x4096xf32, #tpu.memory_space<hbm>>
    tpu.enqueue_dma source(%dma_start3A_28 : memref<8x4096xf32, #tpu.memory_space<hbm>>) target(%arg6 : memref<8x4096xf32, #tpu.memory_space<vmem>>) target_semaphore(%dma_start3A_26 : memref<!tpu.dma_semaphore, #tpu.memory_space<semaphore_mem>>)
    %dma_wait3A = arith.constant 0 : i32
    %dma_wait3A_29 = arith.constant 0 : i32
    %dma_wait3A_30 = tpu.memref_slice %arg2[%add3A_4, %dma_wait3A_29] : memref<4096x4096xf32, #tpu.memory_space<hbm>> -> memref<8x4096xf32, #tpu.memory_space<hbm>>
    %dma_wait3A_31 = tpu.memref_slice %arg7[%dma_wait3A] : memref<3x!tpu.dma_semaphore, #tpu.memory_space<semaphore_mem>> -> memref<1x!tpu.dma_semaphore, #tpu.memory_space<semaphore_mem>>
    %dma_wait3A_32 = tpu.memref_squeeze %dma_wait3A_31 : memref<1x!tpu.dma_semaphore, #tpu.memory_space<semaphore_mem>> -> memref<!tpu.dma_semaphore, #tpu.memory_space<semaphore_mem>>
    %dma_wait3A_33 = arith.constant 0 : i32
    %dma_wait3A_34 = tpu.memref_slice %arg2[%add3A_4, %dma_wait3A_33] : memref<4096x4096xf32, #tpu.memory_space<hbm>> -> memref<8x4096xf32, #tpu.memory_space<hbm>>
    tpu.wait_dma2 semaphore(%dma_wait3A_32 : memref<!tpu.dma_semaphore, #tpu.memory_space<semaphore_mem>>) src(%dma_wait3A_34 : memref<8x4096xf32, #tpu.memory_space<hbm>>) dst(%arg4 : memref<8x4096xf32, #tpu.memory_space<vmem>>)
    %add3A_35 = arith.constant 0 : i32
    %add3A_36 = arith.addi %mul3A_2, %add3A_35 : i32
    %dma_start3A_37 = arith.constant 0 : i32
    %dma_start3A_38 = arith.constant 0 : i32
    %dma_start3A_39 = tpu.memref_slice %arg3[%add3A_36, %dma_start3A_38] : memref<4096x4096xf32, #tpu.memory_space<hbm>> -> memref<8x4096xf32, #tpu.memory_space<hbm>>
    %dma_start3A_40 = tpu.memref_slice %arg8[%dma_start3A_37] : memref<3x!tpu.dma_semaphore, #tpu.memory_space<semaphore_mem>> -> memref<1x!tpu.dma_semaphore, #tpu.memory_space<semaphore_mem>>
    %dma_start3A_41 = tpu.memref_squeeze %dma_start3A_40 : memref<1x!tpu.dma_semaphore, #tpu.memory_space<semaphore_mem>> -> memref<!tpu.dma_semaphore, #tpu.memory_space<semaphore_mem>>
    %dma_start3A_42 = arith.constant 0 : i32
    %dma_start3A_43 = tpu.memref_slice %arg3[%add3A_36, %dma_start3A_42] : memref<4096x4096xf32, #tpu.memory_space<hbm>> -> memref<8x4096xf32, #tpu.memory_space<hbm>>
    tpu.enqueue_dma source(%arg4 : memref<8x4096xf32, #tpu.memory_space<vmem>>) target(%dma_start3A_43 : memref<8x4096xf32, #tpu.memory_space<hbm>>) target_semaphore(%dma_start3A_41 : memref<!tpu.dma_semaphore, #tpu.memory_space<semaphore_mem>>)
    %dma_wait3A_44 = arith.constant 0 : i32
    %dma_wait3A_45 = arith.constant 0 : i32
    %dma_wait3A_46 = tpu.memref_slice %arg3[%add3A_36, %dma_wait3A_45] : memref<4096x4096xf32, #tpu.memory_space<hbm>> -> memref<8x4096xf32, #tpu.memory_space<hbm>>
    %dma_wait3A_47 = tpu.memref_slice %arg8[%dma_wait3A_44] : memref<3x!tpu.dma_semaphore, #tpu.memory_space<semaphore_mem>> -> memref<1x!tpu.dma_semaphore, #tpu.memory_space<semaphore_mem>>
    %dma_wait3A_48 = tpu.memref_squeeze %dma_wait3A_47 : memref<1x!tpu.dma_semaphore, #tpu.memory_space<semaphore_mem>> -> memref<!tpu.dma_semaphore, #tpu.memory_space<semaphore_mem>>
    %dma_wait3A_49 = arith.constant 0 : i32
    %dma_wait3A_50 = tpu.memref_slice %arg3[%add3A_36, %dma_wait3A_49] : memref<4096x4096xf32, #tpu.memory_space<hbm>> -> memref<8x4096xf32, #tpu.memory_space<hbm>>
    tpu.wait_dma2 semaphore(%dma_wait3A_48 : memref<!tpu.dma_semaphore, #tpu.memory_space<semaphore_mem>>) src(%arg4 : memref<8x4096xf32, #tpu.memory_space<vmem>>) dst(%dma_wait3A_50 : memref<8x4096xf32, #tpu.memory_space<hbm>>)
    %add3A_51 = arith.constant 24 : i32
    %add3A_52 = arith.addi %mul3A_2, %add3A_51 : i32
    %dma_start3A_53 = arith.constant 0 : i32
    %dma_start3A_54 = arith.constant 0 : i32
    %dma_start3A_55 = tpu.memref_slice %arg2[%add3A_52, %dma_start3A_54] : memref<4096x4096xf32, #tpu.memory_space<hbm>> -> memref<8x4096xf32, #tpu.memory_space<hbm>>
    %dma_start3A_56 = tpu.memref_slice %arg7[%dma_start3A_53] : memref<3x!tpu.dma_semaphore, #tpu.memory_space<semaphore_mem>> -> memref<1x!tpu.dma_semaphore, #tpu.memory_space<semaphore_mem>>
    %dma_start3A_57 = tpu.memref_squeeze %dma_start3A_56 : memref<1x!tpu.dma_semaphore, #tpu.memory_space<semaphore_mem>> -> memref<!tpu.dma_semaphore, #tpu.memory_space<semaphore_mem>>
    %dma_start3A_58 = arith.constant 0 : i32
    %dma_start3A_59 = tpu.memref_slice %arg2[%add3A_52, %dma_start3A_58] : memref<4096x4096xf32, #tpu.memory_space<hbm>> -> memref<8x4096xf32, #tpu.memory_space<hbm>>
    tpu.enqueue_dma source(%dma_start3A_59 : memref<8x4096xf32, #tpu.memory_space<hbm>>) target(%arg4 : memref<8x4096xf32, #tpu.memory_space<vmem>>) target_semaphore(%dma_start3A_57 : memref<!tpu.dma_semaphore, #tpu.memory_space<semaphore_mem>>)
    %dma_wait3A_60 = arith.constant 1 : i32
    %dma_wait3A_61 = arith.constant 0 : i32
    %dma_wait3A_62 = tpu.memref_slice %arg2[%add3A_12, %dma_wait3A_61] : memref<4096x4096xf32, #tpu.memory_space<hbm>> -> memref<8x4096xf32, #tpu.memory_space<hbm>>
    %dma_wait3A_63 = tpu.memref_slice %arg7[%dma_wait3A_60] : memref<3x!tpu.dma_semaphore, #tpu.memory_space<semaphore_mem>> -> memref<1x!tpu.dma_semaphore, #tpu.memory_space<semaphore_mem>>
    %dma_wait3A_64 = tpu.memref_squeeze %dma_wait3A_63 : memref<1x!tpu.dma_semaphore, #tpu.memory_space<semaphore_mem>> -> memref<!tpu.dma_semaphore, #tpu.memory_space<semaphore_mem>>
    %dma_wait3A_65 = arith.constant 0 : i32
    %dma_wait3A_66 = tpu.memref_slice %arg2[%add3A_12, %dma_wait3A_65] : memref<4096x4096xf32, #tpu.memory_space<hbm>> -> memref<8x4096xf32, #tpu.memory_space<hbm>>
    tpu.wait_dma2 semaphore(%dma_wait3A_64 : memref<!tpu.dma_semaphore, #tpu.memory_space<semaphore_mem>>) src(%dma_wait3A_66 : memref<8x4096xf32, #tpu.memory_space<hbm>>) dst(%arg5 : memref<8x4096xf32, #tpu.memory_space<vmem>>)
    %add3A_67 = arith.constant 8 : i32
    %add3A_68 = arith.addi %mul3A_2, %add3A_67 : i32
    %dma_start3A_69 = arith.constant 1 : i32
    %dma_start3A_70 = arith.constant 0 : i32
    %dma_start3A_71 = tpu.memref_slice %arg3[%add3A_68, %dma_start3A_70] : memref<4096x4096xf32, #tpu.memory_space<hbm>> -> memref<8x4096xf32, #tpu.memory_space<hbm>>
    %dma_start3A_72 = tpu.memref_slice %arg8[%dma_start3A_69] : memref<3x!tpu.dma_semaphore, #tpu.memory_space<semaphore_mem>> -> memref<1x!tpu.dma_semaphore, #tpu.memory_space<semaphore_mem>>
    %dma_start3A_73 = tpu.memref_squeeze %dma_start3A_72 : memref<1x!tpu.dma_semaphore, #tpu.memory_space<semaphore_mem>> -> memref<!tpu.dma_semaphore, #tpu.memory_space<semaphore_mem>>
    %dma_start3A_74 = arith.constant 0 : i32
    %dma_start3A_75 = tpu.memref_slice %arg3[%add3A_68, %dma_start3A_74] : memref<4096x4096xf32, #tpu.memory_space<hbm>> -> memref<8x4096xf32, #tpu.memory_space<hbm>>
    tpu.enqueue_dma source(%arg5 : memref<8x4096xf32, #tpu.memory_space<vmem>>) target(%dma_start3A_75 : memref<8x4096xf32, #tpu.memory_space<hbm>>) target_semaphore(%dma_start3A_73 : memref<!tpu.dma_semaphore, #tpu.memory_space<semaphore_mem>>)
    %dma_wait3A_76 = arith.constant 1 : i32
    %dma_wait3A_77 = arith.constant 0 : i32
    %dma_wait3A_78 = tpu.memref_slice %arg3[%add3A_68, %dma_wait3A_77] : memref<4096x4096xf32, #tpu.memory_space<hbm>> -> memref<8x4096xf32, #tpu.memory_space<hbm>>
    %dma_wait3A_79 = tpu.memref_slice %arg8[%dma_wait3A_76] : memref<3x!tpu.dma_semaphore, #tpu.memory_space<semaphore_mem>> -> memref<1x!tpu.dma_semaphore, #tpu.memory_space<semaphore_mem>>
    %dma_wait3A_80 = tpu.memref_squeeze %dma_wait3A_79 : memref<1x!tpu.dma_semaphore, #tpu.memory_space<semaphore_mem>> -> memref<!tpu.dma_semaphore, #tpu.memory_space<semaphore_mem>>
    %dma_wait3A_81 = arith.constant 0 : i32
    %dma_wait3A_82 = tpu.memref_slice %arg3[%add3A_68, %dma_wait3A_81] : memref<4096x4096xf32, #tpu.memory_space<hbm>> -> memref<8x4096xf32, #tpu.memory_space<hbm>>
    tpu.wait_dma2 semaphore(%dma_wait3A_80 : memref<!tpu.dma_semaphore, #tpu.memory_space<semaphore_mem>>) src(%arg5 : memref<8x4096xf32, #tpu.memory_space<vmem>>) dst(%dma_wait3A_82 : memref<8x4096xf32, #tpu.memory_space<hbm>>)
    %add3A_83 = arith.constant 32 : i32
    %add3A_84 = arith.addi %mul3A_2, %add3A_83 : i32
    %dma_start3A_85 = arith.constant 1 : i32
    %dma_start3A_86 = arith.constant 0 : i32
    %dma_start3A_87 = tpu.memref_slice %arg2[%add3A_84, %dma_start3A_86] : memref<4096x4096xf32, #tpu.memory_space<hbm>> -> memref<8x4096xf32, #tpu.memory_space<hbm>>
    %dma_start3A_88 = tpu.memref_slice %arg7[%dma_start3A_85] : memref<3x!tpu.dma_semaphore, #tpu.memory_space<semaphore_mem>> -> memref<1x!tpu.dma_semaphore, #tpu.memory_space<semaphore_mem>>
    %dma_start3A_89 = tpu.memref_squeeze %dma_start3A_88 : memref<1x!tpu.dma_semaphore, #tpu.memory_space<semaphore_mem>> -> memref<!tpu.dma_semaphore, #tpu.memory_space<semaphore_mem>>
    %dma_start3A_90 = arith.constant 0 : i32
    %dma_start3A_91 = tpu.memref_slice %arg2[%add3A_84, %dma_start3A_90] : memref<4096x4096xf32, #tpu.memory_space<hbm>> -> memref<8x4096xf32, #tpu.memory_space<hbm>>
    tpu.enqueue_dma source(%dma_start3A_91 : memref<8x4096xf32, #tpu.memory_space<hbm>>) target(%arg5 : memref<8x4096xf32, #tpu.memory_space<vmem>>) target_semaphore(%dma_start3A_89 : memref<!tpu.dma_semaphore, #tpu.memory_space<semaphore_mem>>)
    %dma_wait3A_92 = arith.constant 2 : i32
    %dma_wait3A_93 = arith.constant 0 : i32
    %dma_wait3A_94 = tpu.memref_slice %arg2[%add3A_21, %dma_wait3A_93] : memref<4096x4096xf32, #tpu.memory_space<hbm>> -> memref<8x4096xf32, #tpu.memory_space<hbm>>
    %dma_wait3A_95 = tpu.memref_slice %arg7[%dma_wait3A_92] : memref<3x!tpu.dma_semaphore, #tpu.memory_space<semaphore_mem>> -> memref<1x!tpu.dma_semaphore, #tpu.memory_space<semaphore_mem>>
    %dma_wait3A_96 = tpu.memref_squeeze %dma_wait3A_95 : memref<1x!tpu.dma_semaphore, #tpu.memory_space<semaphore_mem>> -> memref<!tpu.dma_semaphore, #tpu.memory_space<semaphore_mem>>
    %dma_wait3A_97 = arith.constant 0 : i32
    %dma_wait3A_98 = tpu.memref_slice %arg2[%add3A_21, %dma_wait3A_97] : memref<4096x4096xf32, #tpu.memory_space<hbm>> -> memref<8x4096xf32, #tpu.memory_space<hbm>>
    tpu.wait_dma2 semaphore(%dma_wait3A_96 : memref<!tpu.dma_semaphore, #tpu.memory_space<semaphore_mem>>) src(%dma_wait3A_98 : memref<8x4096xf32, #tpu.memory_space<hbm>>) dst(%arg6 : memref<8x4096xf32, #tpu.memory_space<vmem>>)
    %add3A_99 = arith.constant 16 : i32
    %add3A_100 = arith.addi %mul3A_2, %add3A_99 : i32
    %dma_start3A_101 = arith.constant 2 : i32
    %dma_start3A_102 = arith.constant 0 : i32
    %dma_start3A_103 = tpu.memref_slice %arg3[%add3A_100, %dma_start3A_102] : memref<4096x4096xf32, #tpu.memory_space<hbm>> -> memref<8x4096xf32, #tpu.memory_space<hbm>>
    %dma_start3A_104 = tpu.memref_slice %arg8[%dma_start3A_101] : memref<3x!tpu.dma_semaphore, #tpu.memory_space<semaphore_mem>> -> memref<1x!tpu.dma_semaphore, #tpu.memory_space<semaphore_mem>>
    %dma_start3A_105 = tpu.memref_squeeze %dma_start3A_104 : memref<1x!tpu.dma_semaphore, #tpu.memory_space<semaphore_mem>> -> memref<!tpu.dma_semaphore, #tpu.memory_space<semaphore_mem>>
    %dma_start3A_106 = arith.constant 0 : i32
    %dma_start3A_107 = tpu.memref_slice %arg3[%add3A_100, %dma_start3A_106] : memref<4096x4096xf32, #tpu.memory_space<hbm>> -> memref<8x4096xf32, #tpu.memory_space<hbm>>
    tpu.enqueue_dma source(%arg6 : memref<8x4096xf32, #tpu.memory_space<vmem>>) target(%dma_start3A_107 : memref<8x4096xf32, #tpu.memory_space<hbm>>) target_semaphore(%dma_start3A_105 : memref<!tpu.dma_semaphore, #tpu.memory_space<semaphore_mem>>)
    %dma_wait3A_108 = arith.constant 2 : i32
    %dma_wait3A_109 = arith.constant 0 : i32
    %dma_wait3A_110 = tpu.memref_slice %arg3[%add3A_100, %dma_wait3A_109] : memref<4096x4096xf32, #tpu.memory_space<hbm>> -> memref<8x4096xf32, #tpu.memory_space<hbm>>
    %dma_wait3A_111 = tpu.memref_slice %arg8[%dma_wait3A_108] : memref<3x!tpu.dma_semaphore, #tpu.memory_space<semaphore_mem>> -> memref<1x!tpu.dma_semaphore, #tpu.memory_space<semaphore_mem>>
    %dma_wait3A_112 = tpu.memref_squeeze %dma_wait3A_111 : memref<1x!tpu.dma_semaphore, #tpu.memory_space<semaphore_mem>> -> memref<!tpu.dma_semaphore, #tpu.memory_space<semaphore_mem>>
    %dma_wait3A_113 = arith.constant 0 : i32
    %dma_wait3A_114 = tpu.memref_slice %arg3[%add3A_100, %dma_wait3A_113] : memref<4096x4096xf32, #tpu.memory_space<hbm>> -> memref<8x4096xf32, #tpu.memory_space<hbm>>
    tpu.wait_dma2 semaphore(%dma_wait3A_112 : memref<!tpu.dma_semaphore, #tpu.memory_space<semaphore_mem>>) src(%arg6 : memref<8x4096xf32, #tpu.memory_space<vmem>>) dst(%dma_wait3A_114 : memref<8x4096xf32, #tpu.memory_space<hbm>>)
    %add3A_115 = arith.constant 40 : i32
    %add3A_116 = arith.addi %mul3A_2, %add3A_115 : i32
    %dma_start3A_117 = arith.constant 2 : i32
    %dma_start3A_118 = arith.constant 0 : i32
    %dma_start3A_119 = tpu.memref_slice %arg2[%add3A_116, %dma_start3A_118] : memref<4096x4096xf32, #tpu.memory_space<hbm>> -> memref<8x4096xf32, #tpu.memory_space<hbm>>
    %dma_start3A_120 = tpu.memref_slice %arg7[%dma_start3A_117] : memref<3x!tpu.dma_semaphore, #tpu.memory_space<semaphore_mem>> -> memref<1x!tpu.dma_semaphore, #tpu.memory_space<semaphore_mem>>
    %dma_start3A_121 = tpu.memref_squeeze %dma_start3A_120 : memref<1x!tpu.dma_semaphore, #tpu.memory_space<semaphore_mem>> -> memref<!tpu.dma_semaphore, #tpu.memory_space<semaphore_mem>>
    %dma_start3A_122 = arith.constant 0 : i32
    %dma_start3A_123 = tpu.memref_slice %arg2[%add3A_116, %dma_start3A_122] : memref<4096x4096xf32, #tpu.memory_space<hbm>> -> memref<8x4096xf32, #tpu.memory_space<hbm>>
    tpu.enqueue_dma source(%dma_start3A_123 : memref<8x4096xf32, #tpu.memory_space<hbm>>) target(%arg6 : memref<8x4096xf32, #tpu.memory_space<vmem>>) target_semaphore(%dma_start3A_121 : memref<!tpu.dma_semaphore, #tpu.memory_space<semaphore_mem>>)
    %dma_wait3A_124 = arith.constant 0 : i32
    %dma_wait3A_125 = arith.constant 0 : i32
    %dma_wait3A_126 = tpu.memref_slice %arg2[%add3A_52, %dma_wait3A_125] : memref<4096x4096xf32, #tpu.memory_space<hbm>> -> memref<8x4096xf32, #tpu.memory_space<hbm>>
    %dma_wait3A_127 = tpu.memref_slice %arg7[%dma_wait3A_124] : memref<3x!tpu.dma_semaphore, #tpu.memory_space<semaphore_mem>> -> memref<1x!tpu.dma_semaphore, #tpu.memory_space<semaphore_mem>>
    %dma_wait3A_128 = tpu.memref_squeeze %dma_wait3A_127 : memref<1x!tpu.dma_semaphore, #tpu.memory_space<semaphore_mem>> -> memref<!tpu.dma_semaphore, #tpu.memory_space<semaphore_mem>>
    %dma_wait3A_129 = arith.constant 0 : i32
    %dma_wait3A_130 = tpu.memref_slice %arg2[%add3A_52, %dma_wait3A_129] : memref<4096x4096xf32, #tpu.memory_space<hbm>> -> memref<8x4096xf32, #tpu.memory_space<hbm>>
    tpu.wait_dma2 semaphore(%dma_wait3A_128 : memref<!tpu.dma_semaphore, #tpu.memory_space<semaphore_mem>>) src(%dma_wait3A_130 : memref<8x4096xf32, #tpu.memory_space<hbm>>) dst(%arg4 : memref<8x4096xf32, #tpu.memory_space<vmem>>)
    %add3A_131 = arith.constant 24 : i32
    %add3A_132 = arith.addi %mul3A_2, %add3A_131 : i32
    %dma_start3A_133 = arith.constant 0 : i32
    %dma_start3A_134 = arith.constant 0 : i32
    %dma_start3A_135 = tpu.memref_slice %arg3[%add3A_132, %dma_start3A_134] : memref<4096x4096xf32, #tpu.memory_space<hbm>> -> memref<8x4096xf32, #tpu.memory_space<hbm>>
    %dma_start3A_136 = tpu.memref_slice %arg8[%dma_start3A_133] : memref<3x!tpu.dma_semaphore, #tpu.memory_space<semaphore_mem>> -> memref<1x!tpu.dma_semaphore, #tpu.memory_space<semaphore_mem>>
    %dma_start3A_137 = tpu.memref_squeeze %dma_start3A_136 : memref<1x!tpu.dma_semaphore, #tpu.memory_space<semaphore_mem>> -> memref<!tpu.dma_semaphore, #tpu.memory_space<semaphore_mem>>
    %dma_start3A_138 = arith.constant 0 : i32
    %dma_start3A_139 = tpu.memref_slice %arg3[%add3A_132, %dma_start3A_138] : memref<4096x4096xf32, #tpu.memory_space<hbm>> -> memref<8x4096xf32, #tpu.memory_space<hbm>>
    tpu.enqueue_dma source(%arg4 : memref<8x4096xf32, #tpu.memory_space<vmem>>) target(%dma_start3A_139 : memref<8x4096xf32, #tpu.memory_space<hbm>>) target_semaphore(%dma_start3A_137 : memref<!tpu.dma_semaphore, #tpu.memory_space<semaphore_mem>>)
    %dma_wait3A_140 = arith.constant 0 : i32
    %dma_wait3A_141 = arith.constant 0 : i32
    %dma_wait3A_142 = tpu.memref_slice %arg3[%add3A_132, %dma_wait3A_141] : memref<4096x4096xf32, #tpu.memory_space<hbm>> -> memref<8x4096xf32, #tpu.memory_space<hbm>>
    %dma_wait3A_143 = tpu.memref_slice %arg8[%dma_wait3A_140] : memref<3x!tpu.dma_semaphore, #tpu.memory_space<semaphore_mem>> -> memref<1x!tpu.dma_semaphore, #tpu.memory_space<semaphore_mem>>
    %dma_wait3A_144 = tpu.memref_squeeze %dma_wait3A_143 : memref<1x!tpu.dma_semaphore, #tpu.memory_space<semaphore_mem>> -> memref<!tpu.dma_semaphore, #tpu.memory_space<semaphore_mem>>
    %dma_wait3A_145 = arith.constant 0 : i32
    %dma_wait3A_146 = tpu.memref_slice %arg3[%add3A_132, %dma_wait3A_145] : memref<4096x4096xf32, #tpu.memory_space<hbm>> -> memref<8x4096xf32, #tpu.memory_space<hbm>>
    tpu.wait_dma2 semaphore(%dma_wait3A_144 : memref<!tpu.dma_semaphore, #tpu.memory_space<semaphore_mem>>) src(%arg4 : memref<8x4096xf32, #tpu.memory_space<vmem>>) dst(%dma_wait3A_146 : memref<8x4096xf32, #tpu.memory_space<hbm>>)
    %add3A_147 = arith.constant 48 : i32
    %add3A_148 = arith.addi %mul3A_2, %add3A_147 : i32
    %dma_start3A_149 = arith.constant 0 : i32
    %dma_start3A_150 = arith.constant 0 : i32
    %dma_start3A_151 = tpu.memref_slice %arg2[%add3A_148, %dma_start3A_150] : memref<4096x4096xf32, #tpu.memory_space<hbm>> -> memref<8x4096xf32, #tpu.memory_space<hbm>>
    %dma_start3A_152 = tpu.memref_slice %arg7[%dma_start3A_149] : memref<3x!tpu.dma_semaphore, #tpu.memory_space<semaphore_mem>> -> memref<1x!tpu.dma_semaphore, #tpu.memory_space<semaphore_mem>>
    %dma_start3A_153 = tpu.memref_squeeze %dma_start3A_152 : memref<1x!tpu.dma_semaphore, #tpu.memory_space<semaphore_mem>> -> memref<!tpu.dma_semaphore, #tpu.memory_space<semaphore_mem>>
    %dma_start3A_154 = arith.constant 0 : i32
    %dma_start3A_155 = tpu.memref_slice %arg2[%add3A_148, %dma_start3A_154] : memref<4096x4096xf32, #tpu.memory_space<hbm>> -> memref<8x4096xf32, #tpu.memory_space<hbm>>
    tpu.enqueue_dma source(%dma_start3A_155 : memref<8x4096xf32, #tpu.memory_space<hbm>>) target(%arg4 : memref<8x4096xf32, #tpu.memory_space<vmem>>) target_semaphore(%dma_start3A_153 : memref<!tpu.dma_semaphore, #tpu.memory_space<semaphore_mem>>)
    %dma_wait3A_156 = arith.constant 1 : i32
    %dma_wait3A_157 = arith.constant 0 : i32
    %dma_wait3A_158 = tpu.memref_slice %arg2[%add3A_84, %dma_wait3A_157] : memref<4096x4096xf32, #tpu.memory_space<hbm>> -> memref<8x4096xf32, #tpu.memory_space<hbm>>
    %dma_wait3A_159 = tpu.memref_slice %arg7[%dma_wait3A_156] : memref<3x!tpu.dma_semaphore, #tpu.memory_space<semaphore_mem>> -> memref<1x!tpu.dma_semaphore, #tpu.memory_space<semaphore_mem>>
    %dma_wait3A_160 = tpu.memref_squeeze %dma_wait3A_159 : memref<1x!tpu.dma_semaphore, #tpu.memory_space<semaphore_mem>> -> memref<!tpu.dma_semaphore, #tpu.memory_space<semaphore_mem>>
    %dma_wait3A_161 = arith.constant 0 : i32
    %dma_wait3A_162 = tpu.memref_slice %arg2[%add3A_84, %dma_wait3A_161] : memref<4096x4096xf32, #tpu.memory_space<hbm>> -> memref<8x4096xf32, #tpu.memory_space<hbm>>
    tpu.wait_dma2 semaphore(%dma_wait3A_160 : memref<!tpu.dma_semaphore, #tpu.memory_space<semaphore_mem>>) src(%dma_wait3A_162 : memref<8x4096xf32, #tpu.memory_space<hbm>>) dst(%arg5 : memref<8x4096xf32, #tpu.memory_space<vmem>>)
    %add3A_163 = arith.constant 32 : i32
    %add3A_164 = arith.addi %mul3A_2, %add3A_163 : i32
    %dma_start3A_165 = arith.constant 1 : i32
    %dma_start3A_166 = arith.constant 0 : i32
    %dma_start3A_167 = tpu.memref_slice %arg3[%add3A_164, %dma_start3A_166] : memref<4096x4096xf32, #tpu.memory_space<hbm>> -> memref<8x4096xf32, #tpu.memory_space<hbm>>
    %dma_start3A_168 = tpu.memref_slice %arg8[%dma_start3A_165] : memref<3x!tpu.dma_semaphore, #tpu.memory_space<semaphore_mem>> -> memref<1x!tpu.dma_semaphore, #tpu.memory_space<semaphore_mem>>
    %dma_start3A_169 = tpu.memref_squeeze %dma_start3A_168 : memref<1x!tpu.dma_semaphore, #tpu.memory_space<semaphore_mem>> -> memref<!tpu.dma_semaphore, #tpu.memory_space<semaphore_mem>>
    %dma_start3A_170 = arith.constant 0 : i32
    %dma_start3A_171 = tpu.memref_slice %arg3[%add3A_164, %dma_start3A_170] : memref<4096x4096xf32, #tpu.memory_space<hbm>> -> memref<8x4096xf32, #tpu.memory_space<hbm>>
    tpu.enqueue_dma source(%arg5 : memref<8x4096xf32, #tpu.memory_space<vmem>>) target(%dma_start3A_171 : memref<8x4096xf32, #tpu.memory_space<hbm>>) target_semaphore(%dma_start3A_169 : memref<!tpu.dma_semaphore, #tpu.memory_space<semaphore_mem>>)
    %dma_wait3A_172 = arith.constant 1 : i32
    %dma_wait3A_173 = arith.constant 0 : i32
    %dma_wait3A_174 = tpu.memref_slice %arg3[%add3A_164, %dma_wait3A_173] : memref<4096x4096xf32, #tpu.memory_space<hbm>> -> memref<8x4096xf32, #tpu.memory_space<hbm>>
    %dma_wait3A_175 = tpu.memref_slice %arg8[%dma_wait3A_172] : memref<3x!tpu.dma_semaphore, #tpu.memory_space<semaphore_mem>> -> memref<1x!tpu.dma_semaphore, #tpu.memory_space<semaphore_mem>>
    %dma_wait3A_176 = tpu.memref_squeeze %dma_wait3A_175 : memref<1x!tpu.dma_semaphore, #tpu.memory_space<semaphore_mem>> -> memref<!tpu.dma_semaphore, #tpu.memory_space<semaphore_mem>>
    %dma_wait3A_177 = arith.constant 0 : i32
    %dma_wait3A_178 = tpu.memref_slice %arg3[%add3A_164, %dma_wait3A_177] : memref<4096x4096xf32, #tpu.memory_space<hbm>> -> memref<8x4096xf32, #tpu.memory_space<hbm>>
    tpu.wait_dma2 semaphore(%dma_wait3A_176 : memref<!tpu.dma_semaphore, #tpu.memory_space<semaphore_mem>>) src(%arg5 : memref<8x4096xf32, #tpu.memory_space<vmem>>) dst(%dma_wait3A_178 : memref<8x4096xf32, #tpu.memory_space<hbm>>)
    %add3A_179 = arith.constant 56 : i32
    %add3A_180 = arith.addi %mul3A_2, %add3A_179 : i32
    %dma_start3A_181 = arith.constant 1 : i32
    %dma_start3A_182 = arith.constant 0 : i32
    %dma_start3A_183 = tpu.memref_slice %arg2[%add3A_180, %dma_start3A_182] : memref<4096x4096xf32, #tpu.memory_space<hbm>> -> memref<8x4096xf32, #tpu.memory_space<hbm>>
    %dma_start3A_184 = tpu.memref_slice %arg7[%dma_start3A_181] : memref<3x!tpu.dma_semaphore, #tpu.memory_space<semaphore_mem>> -> memref<1x!tpu.dma_semaphore, #tpu.memory_space<semaphore_mem>>
    %dma_start3A_185 = tpu.memref_squeeze %dma_start3A_184 : memref<1x!tpu.dma_semaphore, #tpu.memory_space<semaphore_mem>> -> memref<!tpu.dma_semaphore, #tpu.memory_space<semaphore_mem>>
    %dma_start3A_186 = arith.constant 0 : i32
    %dma_start3A_187 = tpu.memref_slice %arg2[%add3A_180, %dma_start3A_186] : memref<4096x4096xf32, #tpu.memory_space<hbm>> -> memref<8x4096xf32, #tpu.memory_space<hbm>>
    tpu.enqueue_dma source(%dma_start3A_187 : memref<8x4096xf32, #tpu.memory_space<hbm>>) target(%arg5 : memref<8x4096xf32, #tpu.memory_space<vmem>>) target_semaphore(%dma_start3A_185 : memref<!tpu.dma_semaphore, #tpu.memory_space<semaphore_mem>>)
    %dma_wait3A_188 = arith.constant 2 : i32
    %dma_wait3A_189 = arith.constant 0 : i32
    %dma_wait3A_190 = tpu.memref_slice %arg2[%add3A_116, %dma_wait3A_189] : memref<4096x4096xf32, #tpu.memory_space<hbm>> -> memref<8x4096xf32, #tpu.memory_space<hbm>>
    %dma_wait3A_191 = tpu.memref_slice %arg7[%dma_wait3A_188] : memref<3x!tpu.dma_semaphore, #tpu.memory_space<semaphore_mem>> -> memref<1x!tpu.dma_semaphore, #tpu.memory_space<semaphore_mem>>
    %dma_wait3A_192 = tpu.memref_squeeze %dma_wait3A_191 : memref<1x!tpu.dma_semaphore, #tpu.memory_space<semaphore_mem>> -> memref<!tpu.dma_semaphore, #tpu.memory_space<semaphore_mem>>
    %dma_wait3A_193 = arith.constant 0 : i32
    %dma_wait3A_194 = tpu.memref_slice %arg2[%add3A_116, %dma_wait3A_193] : memref<4096x4096xf32, #tpu.memory_space<hbm>> -> memref<8x4096xf32, #tpu.memory_space<hbm>>
    tpu.wait_dma2 semaphore(%dma_wait3A_192 : memref<!tpu.dma_semaphore, #tpu.memory_space<semaphore_mem>>) src(%dma_wait3A_194 : memref<8x4096xf32, #tpu.memory_space<hbm>>) dst(%arg6 : memref<8x4096xf32, #tpu.memory_space<vmem>>)
    %add3A_195 = arith.constant 40 : i32
    %add3A_196 = arith.addi %mul3A_2, %add3A_195 : i32
    %dma_start3A_197 = arith.constant 2 : i32
    %dma_start3A_198 = arith.constant 0 : i32
    %dma_start3A_199 = tpu.memref_slice %arg3[%add3A_196, %dma_start3A_198] : memref<4096x4096xf32, #tpu.memory_space<hbm>> -> memref<8x4096xf32, #tpu.memory_space<hbm>>
    %dma_start3A_200 = tpu.memref_slice %arg8[%dma_start3A_197] : memref<3x!tpu.dma_semaphore, #tpu.memory_space<semaphore_mem>> -> memref<1x!tpu.dma_semaphore, #tpu.memory_space<semaphore_mem>>
    %dma_start3A_201 = tpu.memref_squeeze %dma_start3A_200 : memref<1x!tpu.dma_semaphore, #tpu.memory_space<semaphore_mem>> -> memref<!tpu.dma_semaphore, #tpu.memory_space<semaphore_mem>>
    %dma_start3A_202 = arith.constant 0 : i32
    %dma_start3A_203 = tpu.memref_slice %arg3[%add3A_196, %dma_start3A_202] : memref<4096x4096xf32, #tpu.memory_space<hbm>> -> memref<8x4096xf32, #tpu.memory_space<hbm>>
    tpu.enqueue_dma source(%arg6 : memref<8x4096xf32, #tpu.memory_space<vmem>>) target(%dma_start3A_203 : memref<8x4096xf32, #tpu.memory_space<hbm>>) target_semaphore(%dma_start3A_201 : memref<!tpu.dma_semaphore, #tpu.memory_space<semaphore_mem>>)
    %dma_wait3A_204 = arith.constant 2 : i32
    %dma_wait3A_205 = arith.constant 0 : i32
    %dma_wait3A_206 = tpu.memref_slice %arg3[%add3A_196, %dma_wait3A_205] : memref<4096x4096xf32, #tpu.memory_space<hbm>> -> memref<8x4096xf32, #tpu.memory_space<hbm>>
    %dma_wait3A_207 = tpu.memref_slice %arg8[%dma_wait3A_204] : memref<3x!tpu.dma_semaphore, #tpu.memory_space<semaphore_mem>> -> memref<1x!tpu.dma_semaphore, #tpu.memory_space<semaphore_mem>>
    %dma_wait3A_208 = tpu.memref_squeeze %dma_wait3A_207 : memref<1x!tpu.dma_semaphore, #tpu.memory_space<semaphore_mem>> -> memref<!tpu.dma_semaphore, #tpu.memory_space<semaphore_mem>>
    %dma_wait3A_209 = arith.constant 0 : i32
    %dma_wait3A_210 = tpu.memref_slice %arg3[%add3A_196, %dma_wait3A_209] : memref<4096x4096xf32, #tpu.memory_space<hbm>> -> memref<8x4096xf32, #tpu.memory_space<hbm>>
    tpu.wait_dma2 semaphore(%dma_wait3A_208 : memref<!tpu.dma_semaphore, #tpu.memory_space<semaphore_mem>>) src(%arg6 : memref<8x4096xf32, #tpu.memory_space<vmem>>) dst(%dma_wait3A_210 : memref<8x4096xf32, #tpu.memory_space<hbm>>)
    %add3A_211 = arith.constant 64 : i32
    %add3A_212 = arith.addi %mul3A_2, %add3A_211 : i32
    %dma_start3A_213 = arith.constant 2 : i32
    %dma_start3A_214 = arith.constant 0 : i32
    %dma_start3A_215 = tpu.memref_slice %arg2[%add3A_212, %dma_start3A_214] : memref<4096x4096xf32, #tpu.memory_space<hbm>> -> memref<8x4096xf32, #tpu.memory_space<hbm>>
    %dma_start3A_216 = tpu.memref_slice %arg7[%dma_start3A_213] : memref<3x!tpu.dma_semaphore, #tpu.memory_space<semaphore_mem>> -> memref<1x!tpu.dma_semaphore, #tpu.memory_space<semaphore_mem>>
    %dma_start3A_217 = tpu.memref_squeeze %dma_start3A_216 : memref<1x!tpu.dma_semaphore, #tpu.memory_space<semaphore_mem>> -> memref<!tpu.dma_semaphore, #tpu.memory_space<semaphore_mem>>
    %dma_start3A_218 = arith.constant 0 : i32
    %dma_start3A_219 = tpu.memref_slice %arg2[%add3A_212, %dma_start3A_218] : memref<4096x4096xf32, #tpu.memory_space<hbm>> -> memref<8x4096xf32, #tpu.memory_space<hbm>>
    tpu.enqueue_dma source(%dma_start3A_219 : memref<8x4096xf32, #tpu.memory_space<hbm>>) target(%arg6 : memref<8x4096xf32, #tpu.memory_space<vmem>>) target_semaphore(%dma_start3A_217 : memref<!tpu.dma_semaphore, #tpu.memory_space<semaphore_mem>>)
    %dma_wait3A_220 = arith.constant 0 : i32
    %dma_wait3A_221 = arith.constant 0 : i32
    %dma_wait3A_222 = tpu.memref_slice %arg2[%add3A_148, %dma_wait3A_221] : memref<4096x4096xf32, #tpu.memory_space<hbm>> -> memref<8x4096xf32, #tpu.memory_space<hbm>>
    %dma_wait3A_223 = tpu.memref_slice %arg7[%dma_wait3A_220] : memref<3x!tpu.dma_semaphore, #tpu.memory_space<semaphore_mem>> -> memref<1x!tpu.dma_semaphore, #tpu.memory_space<semaphore_mem>>
    %dma_wait3A_224 = tpu.memref_squeeze %dma_wait3A_223 : memref<1x!tpu.dma_semaphore, #tpu.memory_space<semaphore_mem>> -> memref<!tpu.dma_semaphore, #tpu.memory_space<semaphore_mem>>
    %dma_wait3A_225 = arith.constant 0 : i32
    %dma_wait3A_226 = tpu.memref_slice %arg2[%add3A_148, %dma_wait3A_225] : memref<4096x4096xf32, #tpu.memory_space<hbm>> -> memref<8x4096xf32, #tpu.memory_space<hbm>>
    tpu.wait_dma2 semaphore(%dma_wait3A_224 : memref<!tpu.dma_semaphore, #tpu.memory_space<semaphore_mem>>) src(%dma_wait3A_226 : memref<8x4096xf32, #tpu.memory_space<hbm>>) dst(%arg4 : memref<8x4096xf32, #tpu.memory_space<vmem>>)
    %add3A_227 = arith.constant 48 : i32
    %add3A_228 = arith.addi %mul3A_2, %add3A_227 : i32
    %dma_start3A_229 = arith.constant 0 : i32
    %dma_start3A_230 = arith.constant 0 : i32
    %dma_start3A_231 = tpu.memref_slice %arg3[%add3A_228, %dma_start3A_230] : memref<4096x4096xf32, #tpu.memory_space<hbm>> -> memref<8x4096xf32, #tpu.memory_space<hbm>>
    %dma_start3A_232 = tpu.memref_slice %arg8[%dma_start3A_229] : memref<3x!tpu.dma_semaphore, #tpu.memory_space<semaphore_mem>> -> memref<1x!tpu.dma_semaphore, #tpu.memory_space<semaphore_mem>>
    %dma_start3A_233 = tpu.memref_squeeze %dma_start3A_232 : memref<1x!tpu.dma_semaphore, #tpu.memory_space<semaphore_mem>> -> memref<!tpu.dma_semaphore, #tpu.memory_space<semaphore_mem>>
    %dma_start3A_234 = arith.constant 0 : i32
    %dma_start3A_235 = tpu.memref_slice %arg3[%add3A_228, %dma_start3A_234] : memref<4096x4096xf32, #tpu.memory_space<hbm>> -> memref<8x4096xf32, #tpu.memory_space<hbm>>
    tpu.enqueue_dma source(%arg4 : memref<8x4096xf32, #tpu.memory_space<vmem>>) target(%dma_start3A_235 : memref<8x4096xf32, #tpu.memory_space<hbm>>) target_semaphore(%dma_start3A_233 : memref<!tpu.dma_semaphore, #tpu.memory_space<semaphore_mem>>)
    %dma_wait3A_236 = arith.constant 0 : i32
    %dma_wait3A_237 = arith.constant 0 : i32
    %dma_wait3A_238 = tpu.memref_slice %arg3[%add3A_228, %dma_wait3A_237] : memref<4096x4096xf32, #tpu.memory_space<hbm>> -> memref<8x4096xf32, #tpu.memory_space<hbm>>
    %dma_wait3A_239 = tpu.memref_slice %arg8[%dma_wait3A_236] : memref<3x!tpu.dma_semaphore, #tpu.memory_space<semaphore_mem>> -> memref<1x!tpu.dma_semaphore, #tpu.memory_space<semaphore_mem>>
    %dma_wait3A_240 = tpu.memref_squeeze %dma_wait3A_239 : memref<1x!tpu.dma_semaphore, #tpu.memory_space<semaphore_mem>> -> memref<!tpu.dma_semaphore, #tpu.memory_space<semaphore_mem>>
    %dma_wait3A_241 = arith.constant 0 : i32
    %dma_wait3A_242 = tpu.memref_slice %arg3[%add3A_228, %dma_wait3A_241] : memref<4096x4096xf32, #tpu.memory_space<hbm>> -> memref<8x4096xf32, #tpu.memory_space<hbm>>
    tpu.wait_dma2 semaphore(%dma_wait3A_240 : memref<!tpu.dma_semaphore, #tpu.memory_space<semaphore_mem>>) src(%arg4 : memref<8x4096xf32, #tpu.memory_space<vmem>>) dst(%dma_wait3A_242 : memref<8x4096xf32, #tpu.memory_space<hbm>>)
    %add3A_243 = arith.constant 72 : i32
    %add3A_244 = arith.addi %mul3A_2, %add3A_243 : i32
    %dma_start3A_245 = arith.constant 0 : i32
    %dma_start3A_246 = arith.constant 0 : i32
    %dma_start3A_247 = tpu.memref_slice %arg2[%add3A_244, %dma_start3A_246] : memref<4096x4096xf32, #tpu.memory_space<hbm>> -> memref<8x4096xf32, #tpu.memory_space<hbm>>
    %dma_start3A_248 = tpu.memref_slice %arg7[%dma_start3A_245] : memref<3x!tpu.dma_semaphore, #tpu.memory_space<semaphore_mem>> -> memref<1x!tpu.dma_semaphore, #tpu.memory_space<semaphore_mem>>
    %dma_start3A_249 = tpu.memref_squeeze %dma_start3A_248 : memref<1x!tpu.dma_semaphore, #tpu.memory_space<semaphore_mem>> -> memref<!tpu.dma_semaphore, #tpu.memory_space<semaphore_mem>>
    %dma_start3A_250 = arith.constant 0 : i32
    %dma_start3A_251 = tpu.memref_slice %arg2[%add3A_244, %dma_start3A_250] : memref<4096x4096xf32, #tpu.memory_space<hbm>> -> memref<8x4096xf32, #tpu.memory_space<hbm>>
    tpu.enqueue_dma source(%dma_start3A_251 : memref<8x4096xf32, #tpu.memory_space<hbm>>) target(%arg4 : memref<8x4096xf32, #tpu.memory_space<vmem>>) target_semaphore(%dma_start3A_249 : memref<!tpu.dma_semaphore, #tpu.memory_space<semaphore_mem>>)
    %dma_wait3A_252 = arith.constant 1 : i32
    %dma_wait3A_253 = arith.constant 0 : i32
    %dma_wait3A_254 = tpu.memref_slice %arg2[%add3A_180, %dma_wait3A_253] : memref<4096x4096xf32, #tpu.memory_space<hbm>> -> memref<8x4096xf32, #tpu.memory_space<hbm>>
    %dma_wait3A_255 = tpu.memref_slice %arg7[%dma_wait3A_252] : memref<3x!tpu.dma_semaphore, #tpu.memory_space<semaphore_mem>> -> memref<1x!tpu.dma_semaphore, #tpu.memory_space<semaphore_mem>>
    %dma_wait3A_256 = tpu.memref_squeeze %dma_wait3A_255 : memref<1x!tpu.dma_semaphore, #tpu.memory_space<semaphore_mem>> -> memref<!tpu.dma_semaphore, #tpu.memory_space<semaphore_mem>>
    %dma_wait3A_257 = arith.constant 0 : i32
    %dma_wait3A_258 = tpu.memref_slice %arg2[%add3A_180, %dma_wait3A_257] : memref<4096x4096xf32, #tpu.memory_space<hbm>> -> memref<8x4096xf32, #tpu.memory_space<hbm>>
    tpu.wait_dma2 semaphore(%dma_wait3A_256 : memref<!tpu.dma_semaphore, #tpu.memory_space<semaphore_mem>>) src(%dma_wait3A_258 : memref<8x4096xf32, #tpu.memory_space<hbm>>) dst(%arg5 : memref<8x4096xf32, #tpu.memory_space<vmem>>)
    %add3A_259 = arith.constant 56 : i32
    %add3A_260 = arith.addi %mul3A_2, %add3A_259 : i32
    %dma_start3A_261 = arith.constant 1 : i32
    %dma_start3A_262 = arith.constant 0 : i32
    %dma_start3A_263 = tpu.memref_slice %arg3[%add3A_260, %dma_start3A_262] : memref<4096x4096xf32, #tpu.memory_space<hbm>> -> memref<8x4096xf32, #tpu.memory_space<hbm>>
    %dma_start3A_264 = tpu.memref_slice %arg8[%dma_start3A_261] : memref<3x!tpu.dma_semaphore, #tpu.memory_space<semaphore_mem>> -> memref<1x!tpu.dma_semaphore, #tpu.memory_space<semaphore_mem>>
    %dma_start3A_265 = tpu.memref_squeeze %dma_start3A_264 : memref<1x!tpu.dma_semaphore, #tpu.memory_space<semaphore_mem>> -> memref<!tpu.dma_semaphore, #tpu.memory_space<semaphore_mem>>
    %dma_start3A_266 = arith.constant 0 : i32
    %dma_start3A_267 = tpu.memref_slice %arg3[%add3A_260, %dma_start3A_266] : memref<4096x4096xf32, #tpu.memory_space<hbm>> -> memref<8x4096xf32, #tpu.memory_space<hbm>>
    tpu.enqueue_dma source(%arg5 : memref<8x4096xf32, #tpu.memory_space<vmem>>) target(%dma_start3A_267 : memref<8x4096xf32, #tpu.memory_space<hbm>>) target_semaphore(%dma_start3A_265 : memref<!tpu.dma_semaphore, #tpu.memory_space<semaphore_mem>>)
    %dma_wait3A_268 = arith.constant 1 : i32
    %dma_wait3A_269 = arith.constant 0 : i32
    %dma_wait3A_270 = tpu.memref_slice %arg3[%add3A_260, %dma_wait3A_269] : memref<4096x4096xf32, #tpu.memory_space<hbm>> -> memref<8x4096xf32, #tpu.memory_space<hbm>>
    %dma_wait3A_271 = tpu.memref_slice %arg8[%dma_wait3A_268] : memref<3x!tpu.dma_semaphore, #tpu.memory_space<semaphore_mem>> -> memref<1x!tpu.dma_semaphore, #tpu.memory_space<semaphore_mem>>
    %dma_wait3A_272 = tpu.memref_squeeze %dma_wait3A_271 : memref<1x!tpu.dma_semaphore, #tpu.memory_space<semaphore_mem>> -> memref<!tpu.dma_semaphore, #tpu.memory_space<semaphore_mem>>
    %dma_wait3A_273 = arith.constant 0 : i32
    %dma_wait3A_274 = tpu.memref_slice %arg3[%add3A_260, %dma_wait3A_273] : memref<4096x4096xf32, #tpu.memory_space<hbm>> -> memref<8x4096xf32, #tpu.memory_space<hbm>>
    tpu.wait_dma2 semaphore(%dma_wait3A_272 : memref<!tpu.dma_semaphore, #tpu.memory_space<semaphore_mem>>) src(%arg5 : memref<8x4096xf32, #tpu.memory_space<vmem>>) dst(%dma_wait3A_274 : memref<8x4096xf32, #tpu.memory_space<hbm>>)
    %add3A_275 = arith.constant 80 : i32
    %add3A_276 = arith.addi %mul3A_2, %add3A_275 : i32
    %dma_start3A_277 = arith.constant 1 : i32
    %dma_start3A_278 = arith.constant 0 : i32
    %dma_start3A_279 = tpu.memref_slice %arg2[%add3A_276, %dma_start3A_278] : memref<4096x4096xf32, #tpu.memory_space<hbm>> -> memref<8x4096xf32, #tpu.memory_space<hbm>>
    %dma_start3A_280 = tpu.memref_slice %arg7[%dma_start3A_277] : memref<3x!tpu.dma_semaphore, #tpu.memory_space<semaphore_mem>> -> memref<1x!tpu.dma_semaphore, #tpu.memory_space<semaphore_mem>>
    %dma_start3A_281 = tpu.memref_squeeze %dma_start3A_280 : memref<1x!tpu.dma_semaphore, #tpu.memory_space<semaphore_mem>> -> memref<!tpu.dma_semaphore, #tpu.memory_space<semaphore_mem>>
    %dma_start3A_282 = arith.constant 0 : i32
    %dma_start3A_283 = tpu.memref_slice %arg2[%add3A_276, %dma_start3A_282] : memref<4096x4096xf32, #tpu.memory_space<hbm>> -> memref<8x4096xf32, #tpu.memory_space<hbm>>
    tpu.enqueue_dma source(%dma_start3A_283 : memref<8x4096xf32, #tpu.memory_space<hbm>>) target(%arg5 : memref<8x4096xf32, #tpu.memory_space<vmem>>) target_semaphore(%dma_start3A_281 : memref<!tpu.dma_semaphore, #tpu.memory_space<semaphore_mem>>)
    %dma_wait3A_284 = arith.constant 2 : i32
    %dma_wait3A_285 = arith.constant 0 : i32
    %dma_wait3A_286 = tpu.memref_slice %arg2[%add3A_212, %dma_wait3A_285] : memref<4096x4096xf32, #tpu.memory_space<hbm>> -> memref<8x4096xf32, #tpu.memory_space<hbm>>
    %dma_wait3A_287 = tpu.memref_slice %arg7[%dma_wait3A_284] : memref<3x!tpu.dma_semaphore, #tpu.memory_space<semaphore_mem>> -> memref<1x!tpu.dma_semaphore, #tpu.memory_space<semaphore_mem>>
    %dma_wait3A_288 = tpu.memref_squeeze %dma_wait3A_287 : memref<1x!tpu.dma_semaphore, #tpu.memory_space<semaphore_mem>> -> memref<!tpu.dma_semaphore, #tpu.memory_space<semaphore_mem>>
    %dma_wait3A_289 = arith.constant 0 : i32
    %dma_wait3A_290 = tpu.memref_slice %arg2[%add3A_212, %dma_wait3A_289] : memref<4096x4096xf32, #tpu.memory_space<hbm>> -> memref<8x4096xf32, #tpu.memory_space<hbm>>
    tpu.wait_dma2 semaphore(%dma_wait3A_288 : memref<!tpu.dma_semaphore, #tpu.memory_space<semaphore_mem>>) src(%dma_wait3A_290 : memref<8x4096xf32, #tpu.memory_space<hbm>>) dst(%arg6 : memref<8x4096xf32, #tpu.memory_space<vmem>>)
    %add3A_291 = arith.constant 64 : i32
    %add3A_292 = arith.addi %mul3A_2, %add3A_291 : i32
    %dma_start3A_293 = arith.constant 2 : i32
    %dma_start3A_294 = arith.constant 0 : i32
    %dma_start3A_295 = tpu.memref_slice %arg3[%add3A_292, %dma_start3A_294] : memref<4096x4096xf32, #tpu.memory_space<hbm>> -> memref<8x4096xf32, #tpu.memory_space<hbm>>
    %dma_start3A_296 = tpu.memref_slice %arg8[%dma_start3A_293] : memref<3x!tpu.dma_semaphore, #tpu.memory_space<semaphore_mem>> -> memref<1x!tpu.dma_semaphore, #tpu.memory_space<semaphore_mem>>
    %dma_start3A_297 = tpu.memref_squeeze %dma_start3A_296 : memref<1x!tpu.dma_semaphore, #tpu.memory_space<semaphore_mem>> -> memref<!tpu.dma_semaphore, #tpu.memory_space<semaphore_mem>>
    %dma_start3A_298 = arith.constant 0 : i32
    %dma_start3A_299 = tpu.memref_slice %arg3[%add3A_292, %dma_start3A_298] : memref<4096x4096xf32, #tpu.memory_space<hbm>> -> memref<8x4096xf32, #tpu.memory_space<hbm>>
    tpu.enqueue_dma source(%arg6 : memref<8x4096xf32, #tpu.memory_space<vmem>>) target(%dma_start3A_299 : memref<8x4096xf32, #tpu.memory_space<hbm>>) target_semaphore(%dma_start3A_297 : memref<!tpu.dma_semaphore, #tpu.memory_space<semaphore_mem>>)
    %dma_wait3A_300 = arith.constant 2 : i32
    %dma_wait3A_301 = arith.constant 0 : i32
    %dma_wait3A_302 = tpu.memref_slice %arg3[%add3A_292, %dma_wait3A_301] : memref<4096x4096xf32, #tpu.memory_space<hbm>> -> memref<8x4096xf32, #tpu.memory_space<hbm>>
    %dma_wait3A_303 = tpu.memref_slice %arg8[%dma_wait3A_300] : memref<3x!tpu.dma_semaphore, #tpu.memory_space<semaphore_mem>> -> memref<1x!tpu.dma_semaphore, #tpu.memory_space<semaphore_mem>>
    %dma_wait3A_304 = tpu.memref_squeeze %dma_wait3A_303 : memref<1x!tpu.dma_semaphore, #tpu.memory_space<semaphore_mem>> -> memref<!tpu.dma_semaphore, #tpu.memory_space<semaphore_mem>>
    %dma_wait3A_305 = arith.constant 0 : i32
    %dma_wait3A_306 = tpu.memref_slice %arg3[%add3A_292, %dma_wait3A_305] : memref<4096x4096xf32, #tpu.memory_space<hbm>> -> memref<8x4096xf32, #tpu.memory_space<hbm>>
    tpu.wait_dma2 semaphore(%dma_wait3A_304 : memref<!tpu.dma_semaphore, #tpu.memory_space<semaphore_mem>>) src(%arg6 : memref<8x4096xf32, #tpu.memory_space<vmem>>) dst(%dma_wait3A_306 : memref<8x4096xf32, #tpu.memory_space<hbm>>)
    %add3A_307 = arith.constant 88 : i32
    %add3A_308 = arith.addi %mul3A_2, %add3A_307 : i32
    %dma_start3A_309 = arith.constant 2 : i32
    %dma_start3A_310 = arith.constant 0 : i32
    %dma_start3A_311 = tpu.memref_slice %arg2[%add3A_308, %dma_start3A_310] : memref<4096x4096xf32, #tpu.memory_space<hbm>> -> memref<8x4096xf32, #tpu.memory_space<hbm>>
    %dma_start3A_312 = tpu.memref_slice %arg7[%dma_start3A_309] : memref<3x!tpu.dma_semaphore, #tpu.memory_space<semaphore_mem>> -> memref<1x!tpu.dma_semaphore, #tpu.memory_space<semaphore_mem>>
    %dma_start3A_313 = tpu.memref_squeeze %dma_start3A_312 : memref<1x!tpu.dma_semaphore, #tpu.memory_space<semaphore_mem>> -> memref<!tpu.dma_semaphore, #tpu.memory_space<semaphore_mem>>
    %dma_start3A_314 = arith.constant 0 : i32
    %dma_start3A_315 = tpu.memref_slice %arg2[%add3A_308, %dma_start3A_314] : memref<4096x4096xf32, #tpu.memory_space<hbm>> -> memref<8x4096xf32, #tpu.memory_space<hbm>>
    tpu.enqueue_dma source(%dma_start3A_315 : memref<8x4096xf32, #tpu.memory_space<hbm>>) target(%arg6 : memref<8x4096xf32, #tpu.memory_space<vmem>>) target_semaphore(%dma_start3A_313 : memref<!tpu.dma_semaphore, #tpu.memory_space<semaphore_mem>>)
    %dma_wait3A_316 = arith.constant 0 : i32
    %dma_wait3A_317 = arith.constant 0 : i32
    %dma_wait3A_318 = tpu.memref_slice %arg2[%add3A_244, %dma_wait3A_317] : memref<4096x4096xf32, #tpu.memory_space<hbm>> -> memref<8x4096xf32, #tpu.memory_space<hbm>>
    %dma_wait3A_319 = tpu.memref_slice %arg7[%dma_wait3A_316] : memref<3x!tpu.dma_semaphore, #tpu.memory_space<semaphore_mem>> -> memref<1x!tpu.dma_semaphore, #tpu.memory_space<semaphore_mem>>
    %dma_wait3A_320 = tpu.memref_squeeze %dma_wait3A_319 : memref<1x!tpu.dma_semaphore, #tpu.memory_space<semaphore_mem>> -> memref<!tpu.dma_semaphore, #tpu.memory_space<semaphore_mem>>
    %dma_wait3A_321 = arith.constant 0 : i32
    %dma_wait3A_322 = tpu.memref_slice %arg2[%add3A_244, %dma_wait3A_321] : memref<4096x4096xf32, #tpu.memory_space<hbm>> -> memref<8x4096xf32, #tpu.memory_space<hbm>>
    tpu.wait_dma2 semaphore(%dma_wait3A_320 : memref<!tpu.dma_semaphore, #tpu.memory_space<semaphore_mem>>) src(%dma_wait3A_322 : memref<8x4096xf32, #tpu.memory_space<hbm>>) dst(%arg4 : memref<8x4096xf32, #tpu.memory_space<vmem>>)
    %add3A_323 = arith.constant 72 : i32
    %add3A_324 = arith.addi %mul3A_2, %add3A_323 : i32
    %dma_start3A_325 = arith.constant 0 : i32
    %dma_start3A_326 = arith.constant 0 : i32
    %dma_start3A_327 = tpu.memref_slice %arg3[%add3A_324, %dma_start3A_326] : memref<4096x4096xf32, #tpu.memory_space<hbm>> -> memref<8x4096xf32, #tpu.memory_space<hbm>>
    %dma_start3A_328 = tpu.memref_slice %arg8[%dma_start3A_325] : memref<3x!tpu.dma_semaphore, #tpu.memory_space<semaphore_mem>> -> memref<1x!tpu.dma_semaphore, #tpu.memory_space<semaphore_mem>>
    %dma_start3A_329 = tpu.memref_squeeze %dma_start3A_328 : memref<1x!tpu.dma_semaphore, #tpu.memory_space<semaphore_mem>> -> memref<!tpu.dma_semaphore, #tpu.memory_space<semaphore_mem>>
    %dma_start3A_330 = arith.constant 0 : i32
    %dma_start3A_331 = tpu.memref_slice %arg3[%add3A_324, %dma_start3A_330] : memref<4096x4096xf32, #tpu.memory_space<hbm>> -> memref<8x4096xf32, #tpu.memory_space<hbm>>
    tpu.enqueue_dma source(%arg4 : memref<8x4096xf32, #tpu.memory_space<vmem>>) target(%dma_start3A_331 : memref<8x4096xf32, #tpu.memory_space<hbm>>) target_semaphore(%dma_start3A_329 : memref<!tpu.dma_semaphore, #tpu.memory_space<semaphore_mem>>)
    %dma_wait3A_332 = arith.constant 0 : i32
    %dma_wait3A_333 = arith.constant 0 : i32
    %dma_wait3A_334 = tpu.memref_slice %arg3[%add3A_324, %dma_wait3A_333] : memref<4096x4096xf32, #tpu.memory_space<hbm>> -> memref<8x4096xf32, #tpu.memory_space<hbm>>
    %dma_wait3A_335 = tpu.memref_slice %arg8[%dma_wait3A_332] : memref<3x!tpu.dma_semaphore, #tpu.memory_space<semaphore_mem>> -> memref<1x!tpu.dma_semaphore, #tpu.memory_space<semaphore_mem>>
    %dma_wait3A_336 = tpu.memref_squeeze %dma_wait3A_335 : memref<1x!tpu.dma_semaphore, #tpu.memory_space<semaphore_mem>> -> memref<!tpu.dma_semaphore, #tpu.memory_space<semaphore_mem>>
    %dma_wait3A_337 = arith.constant 0 : i32
    %dma_wait3A_338 = tpu.memref_slice %arg3[%add3A_324, %dma_wait3A_337] : memref<4096x4096xf32, #tpu.memory_space<hbm>> -> memref<8x4096xf32, #tpu.memory_space<hbm>>
    tpu.wait_dma2 semaphore(%dma_wait3A_336 : memref<!tpu.dma_semaphore, #tpu.memory_space<semaphore_mem>>) src(%arg4 : memref<8x4096xf32, #tpu.memory_space<vmem>>) dst(%dma_wait3A_338 : memref<8x4096xf32, #tpu.memory_space<hbm>>)
    %add3A_339 = arith.constant 96 : i32
    %add3A_340 = arith.addi %mul3A_2, %add3A_339 : i32
    %dma_start3A_341 = arith.constant 0 : i32
    %dma_start3A_342 = arith.constant 0 : i32
    %dma_start3A_343 = tpu.memref_slice %arg2[%add3A_340, %dma_start3A_342] : memref<4096x4096xf32, #tpu.memory_space<hbm>> -> memref<8x4096xf32, #tpu.memory_space<hbm>>
    %dma_start3A_344 = tpu.memref_slice %arg7[%dma_start3A_341] : memref<3x!tpu.dma_semaphore, #tpu.memory_space<semaphore_mem>> -> memref<1x!tpu.dma_semaphore, #tpu.memory_space<semaphore_mem>>
    %dma_start3A_345 = tpu.memref_squeeze %dma_start3A_344 : memref<1x!tpu.dma_semaphore, #tpu.memory_space<semaphore_mem>> -> memref<!tpu.dma_semaphore, #tpu.memory_space<semaphore_mem>>
    %dma_start3A_346 = arith.constant 0 : i32
    %dma_start3A_347 = tpu.memref_slice %arg2[%add3A_340, %dma_start3A_346] : memref<4096x4096xf32, #tpu.memory_space<hbm>> -> memref<8x4096xf32, #tpu.memory_space<hbm>>
    tpu.enqueue_dma source(%dma_start3A_347 : memref<8x4096xf32, #tpu.memory_space<hbm>>) target(%arg4 : memref<8x4096xf32, #tpu.memory_space<vmem>>) target_semaphore(%dma_start3A_345 : memref<!tpu.dma_semaphore, #tpu.memory_space<semaphore_mem>>)
    %dma_wait3A_348 = arith.constant 1 : i32
    %dma_wait3A_349 = arith.constant 0 : i32
    %dma_wait3A_350 = tpu.memref_slice %arg2[%add3A_276, %dma_wait3A_349] : memref<4096x4096xf32, #tpu.memory_space<hbm>> -> memref<8x4096xf32, #tpu.memory_space<hbm>>
    %dma_wait3A_351 = tpu.memref_slice %arg7[%dma_wait3A_348] : memref<3x!tpu.dma_semaphore, #tpu.memory_space<semaphore_mem>> -> memref<1x!tpu.dma_semaphore, #tpu.memory_space<semaphore_mem>>
    %dma_wait3A_352 = tpu.memref_squeeze %dma_wait3A_351 : memref<1x!tpu.dma_semaphore, #tpu.memory_space<semaphore_mem>> -> memref<!tpu.dma_semaphore, #tpu.memory_space<semaphore_mem>>
    %dma_wait3A_353 = arith.constant 0 : i32
    %dma_wait3A_354 = tpu.memref_slice %arg2[%add3A_276, %dma_wait3A_353] : memref<4096x4096xf32, #tpu.memory_space<hbm>> -> memref<8x4096xf32, #tpu.memory_space<hbm>>
    tpu.wait_dma2 semaphore(%dma_wait3A_352 : memref<!tpu.dma_semaphore, #tpu.memory_space<semaphore_mem>>) src(%dma_wait3A_354 : memref<8x4096xf32, #tpu.memory_space<hbm>>) dst(%arg5 : memref<8x4096xf32, #tpu.memory_space<vmem>>)
    %add3A_355 = arith.constant 80 : i32
    %add3A_356 = arith.addi %mul3A_2, %add3A_355 : i32
    %dma_start3A_357 = arith.constant 1 : i32
    %dma_start3A_358 = arith.constant 0 : i32
    %dma_start3A_359 = tpu.memref_slice %arg3[%add3A_356, %dma_start3A_358] : memref<4096x4096xf32, #tpu.memory_space<hbm>> -> memref<8x4096xf32, #tpu.memory_space<hbm>>
    %dma_start3A_360 = tpu.memref_slice %arg8[%dma_start3A_357] : memref<3x!tpu.dma_semaphore, #tpu.memory_space<semaphore_mem>> -> memref<1x!tpu.dma_semaphore, #tpu.memory_space<semaphore_mem>>
    %dma_start3A_361 = tpu.memref_squeeze %dma_start3A_360 : memref<1x!tpu.dma_semaphore, #tpu.memory_space<semaphore_mem>> -> memref<!tpu.dma_semaphore, #tpu.memory_space<semaphore_mem>>
    %dma_start3A_362 = arith.constant 0 : i32
    %dma_start3A_363 = tpu.memref_slice %arg3[%add3A_356, %dma_start3A_362] : memref<4096x4096xf32, #tpu.memory_space<hbm>> -> memref<8x4096xf32, #tpu.memory_space<hbm>>
    tpu.enqueue_dma source(%arg5 : memref<8x4096xf32, #tpu.memory_space<vmem>>) target(%dma_start3A_363 : memref<8x4096xf32, #tpu.memory_space<hbm>>) target_semaphore(%dma_start3A_361 : memref<!tpu.dma_semaphore, #tpu.memory_space<semaphore_mem>>)
    %dma_wait3A_364 = arith.constant 1 : i32
    %dma_wait3A_365 = arith.constant 0 : i32
    %dma_wait3A_366 = tpu.memref_slice %arg3[%add3A_356, %dma_wait3A_365] : memref<4096x4096xf32, #tpu.memory_space<hbm>> -> memref<8x4096xf32, #tpu.memory_space<hbm>>
    %dma_wait3A_367 = tpu.memref_slice %arg8[%dma_wait3A_364] : memref<3x!tpu.dma_semaphore, #tpu.memory_space<semaphore_mem>> -> memref<1x!tpu.dma_semaphore, #tpu.memory_space<semaphore_mem>>
    %dma_wait3A_368 = tpu.memref_squeeze %dma_wait3A_367 : memref<1x!tpu.dma_semaphore, #tpu.memory_space<semaphore_mem>> -> memref<!tpu.dma_semaphore, #tpu.memory_space<semaphore_mem>>
    %dma_wait3A_369 = arith.constant 0 : i32
    %dma_wait3A_370 = tpu.memref_slice %arg3[%add3A_356, %dma_wait3A_369] : memref<4096x4096xf32, #tpu.memory_space<hbm>> -> memref<8x4096xf32, #tpu.memory_space<hbm>>
    tpu.wait_dma2 semaphore(%dma_wait3A_368 : memref<!tpu.dma_semaphore, #tpu.memory_space<semaphore_mem>>) src(%arg5 : memref<8x4096xf32, #tpu.memory_space<vmem>>) dst(%dma_wait3A_370 : memref<8x4096xf32, #tpu.memory_space<hbm>>)
    %add3A_371 = arith.constant 104 : i32
    %add3A_372 = arith.addi %mul3A_2, %add3A_371 : i32
    %dma_start3A_373 = arith.constant 1 : i32
    %dma_start3A_374 = arith.constant 0 : i32
    %dma_start3A_375 = tpu.memref_slice %arg2[%add3A_372, %dma_start3A_374] : memref<4096x4096xf32, #tpu.memory_space<hbm>> -> memref<8x4096xf32, #tpu.memory_space<hbm>>
    %dma_start3A_376 = tpu.memref_slice %arg7[%dma_start3A_373] : memref<3x!tpu.dma_semaphore, #tpu.memory_space<semaphore_mem>> -> memref<1x!tpu.dma_semaphore, #tpu.memory_space<semaphore_mem>>
    %dma_start3A_377 = tpu.memref_squeeze %dma_start3A_376 : memref<1x!tpu.dma_semaphore, #tpu.memory_space<semaphore_mem>> -> memref<!tpu.dma_semaphore, #tpu.memory_space<semaphore_mem>>
    %dma_start3A_378 = arith.constant 0 : i32
    %dma_start3A_379 = tpu.memref_slice %arg2[%add3A_372, %dma_start3A_378] : memref<4096x4096xf32, #tpu.memory_space<hbm>> -> memref<8x4096xf32, #tpu.memory_space<hbm>>
    tpu.enqueue_dma source(%dma_start3A_379 : memref<8x4096xf32, #tpu.memory_space<hbm>>) target(%arg5 : memref<8x4096xf32, #tpu.memory_space<vmem>>) target_semaphore(%dma_start3A_377 : memref<!tpu.dma_semaphore, #tpu.memory_space<semaphore_mem>>)
    %dma_wait3A_380 = arith.constant 2 : i32
    %dma_wait3A_381 = arith.constant 0 : i32
    %dma_wait3A_382 = tpu.memref_slice %arg2[%add3A_308, %dma_wait3A_381] : memref<4096x4096xf32, #tpu.memory_space<hbm>> -> memref<8x4096xf32, #tpu.memory_space<hbm>>
    %dma_wait3A_383 = tpu.memref_slice %arg7[%dma_wait3A_380] : memref<3x!tpu.dma_semaphore, #tpu.memory_space<semaphore_mem>> -> memref<1x!tpu.dma_semaphore, #tpu.memory_space<semaphore_mem>>
    %dma_wait3A_384 = tpu.memref_squeeze %dma_wait3A_383 : memref<1x!tpu.dma_semaphore, #tpu.memory_space<semaphore_mem>> -> memref<!tpu.dma_semaphore, #tpu.memory_space<semaphore_mem>>
    %dma_wait3A_385 = arith.constant 0 : i32
    %dma_wait3A_386 = tpu.memref_slice %arg2[%add3A_308, %dma_wait3A_385] : memref<4096x4096xf32, #tpu.memory_space<hbm>> -> memref<8x4096xf32, #tpu.memory_space<hbm>>
    tpu.wait_dma2 semaphore(%dma_wait3A_384 : memref<!tpu.dma_semaphore, #tpu.memory_space<semaphore_mem>>) src(%dma_wait3A_386 : memref<8x4096xf32, #tpu.memory_space<hbm>>) dst(%arg6 : memref<8x4096xf32, #tpu.memory_space<vmem>>)
    %add3A_387 = arith.constant 88 : i32
    %add3A_388 = arith.addi %mul3A_2, %add3A_387 : i32
    %dma_start3A_389 = arith.constant 2 : i32
    %dma_start3A_390 = arith.constant 0 : i32
    %dma_start3A_391 = tpu.memref_slice %arg3[%add3A_388, %dma_start3A_390] : memref<4096x4096xf32, #tpu.memory_space<hbm>> -> memref<8x4096xf32, #tpu.memory_space<hbm>>
    %dma_start3A_392 = tpu.memref_slice %arg8[%dma_start3A_389] : memref<3x!tpu.dma_semaphore, #tpu.memory_space<semaphore_mem>> -> memref<1x!tpu.dma_semaphore, #tpu.memory_space<semaphore_mem>>
    %dma_start3A_393 = tpu.memref_squeeze %dma_start3A_392 : memref<1x!tpu.dma_semaphore, #tpu.memory_space<semaphore_mem>> -> memref<!tpu.dma_semaphore, #tpu.memory_space<semaphore_mem>>
    %dma_start3A_394 = arith.constant 0 : i32
    %dma_start3A_395 = tpu.memref_slice %arg3[%add3A_388, %dma_start3A_394] : memref<4096x4096xf32, #tpu.memory_space<hbm>> -> memref<8x4096xf32, #tpu.memory_space<hbm>>
    tpu.enqueue_dma source(%arg6 : memref<8x4096xf32, #tpu.memory_space<vmem>>) target(%dma_start3A_395 : memref<8x4096xf32, #tpu.memory_space<hbm>>) target_semaphore(%dma_start3A_393 : memref<!tpu.dma_semaphore, #tpu.memory_space<semaphore_mem>>)
    %dma_wait3A_396 = arith.constant 2 : i32
    %dma_wait3A_397 = arith.constant 0 : i32
    %dma_wait3A_398 = tpu.memref_slice %arg3[%add3A_388, %dma_wait3A_397] : memref<4096x4096xf32, #tpu.memory_space<hbm>> -> memref<8x4096xf32, #tpu.memory_space<hbm>>
    %dma_wait3A_399 = tpu.memref_slice %arg8[%dma_wait3A_396] : memref<3x!tpu.dma_semaphore, #tpu.memory_space<semaphore_mem>> -> memref<1x!tpu.dma_semaphore, #tpu.memory_space<semaphore_mem>>
    %dma_wait3A_400 = tpu.memref_squeeze %dma_wait3A_399 : memref<1x!tpu.dma_semaphore, #tpu.memory_space<semaphore_mem>> -> memref<!tpu.dma_semaphore, #tpu.memory_space<semaphore_mem>>
    %dma_wait3A_401 = arith.constant 0 : i32
    %dma_wait3A_402 = tpu.memref_slice %arg3[%add3A_388, %dma_wait3A_401] : memref<4096x4096xf32, #tpu.memory_space<hbm>> -> memref<8x4096xf32, #tpu.memory_space<hbm>>
    tpu.wait_dma2 semaphore(%dma_wait3A_400 : memref<!tpu.dma_semaphore, #tpu.memory_space<semaphore_mem>>) src(%arg6 : memref<8x4096xf32, #tpu.memory_space<vmem>>) dst(%dma_wait3A_402 : memref<8x4096xf32, #tpu.memory_space<hbm>>)
    %add3A_403 = arith.constant 112 : i32
    %add3A_404 = arith.addi %mul3A_2, %add3A_403 : i32
    %dma_start3A_405 = arith.constant 2 : i32
    %dma_start3A_406 = arith.constant 0 : i32
    %dma_start3A_407 = tpu.memref_slice %arg2[%add3A_404, %dma_start3A_406] : memref<4096x4096xf32, #tpu.memory_space<hbm>> -> memref<8x4096xf32, #tpu.memory_space<hbm>>
    %dma_start3A_408 = tpu.memref_slice %arg7[%dma_start3A_405] : memref<3x!tpu.dma_semaphore, #tpu.memory_space<semaphore_mem>> -> memref<1x!tpu.dma_semaphore, #tpu.memory_space<semaphore_mem>>
    %dma_start3A_409 = tpu.memref_squeeze %dma_start3A_408 : memref<1x!tpu.dma_semaphore, #tpu.memory_space<semaphore_mem>> -> memref<!tpu.dma_semaphore, #tpu.memory_space<semaphore_mem>>
    %dma_start3A_410 = arith.constant 0 : i32
    %dma_start3A_411 = tpu.memref_slice %arg2[%add3A_404, %dma_start3A_410] : memref<4096x4096xf32, #tpu.memory_space<hbm>> -> memref<8x4096xf32, #tpu.memory_space<hbm>>
    tpu.enqueue_dma source(%dma_start3A_411 : memref<8x4096xf32, #tpu.memory_space<hbm>>) target(%arg6 : memref<8x4096xf32, #tpu.memory_space<vmem>>) target_semaphore(%dma_start3A_409 : memref<!tpu.dma_semaphore, #tpu.memory_space<semaphore_mem>>)
    %dma_wait3A_412 = arith.constant 0 : i32
    %dma_wait3A_413 = arith.constant 0 : i32
    %dma_wait3A_414 = tpu.memref_slice %arg2[%add3A_340, %dma_wait3A_413] : memref<4096x4096xf32, #tpu.memory_space<hbm>> -> memref<8x4096xf32, #tpu.memory_space<hbm>>
    %dma_wait3A_415 = tpu.memref_slice %arg7[%dma_wait3A_412] : memref<3x!tpu.dma_semaphore, #tpu.memory_space<semaphore_mem>> -> memref<1x!tpu.dma_semaphore, #tpu.memory_space<semaphore_mem>>
    %dma_wait3A_416 = tpu.memref_squeeze %dma_wait3A_415 : memref<1x!tpu.dma_semaphore, #tpu.memory_space<semaphore_mem>> -> memref<!tpu.dma_semaphore, #tpu.memory_space<semaphore_mem>>
    %dma_wait3A_417 = arith.constant 0 : i32
    %dma_wait3A_418 = tpu.memref_slice %arg2[%add3A_340, %dma_wait3A_417] : memref<4096x4096xf32, #tpu.memory_space<hbm>> -> memref<8x4096xf32, #tpu.memory_space<hbm>>
    tpu.wait_dma2 semaphore(%dma_wait3A_416 : memref<!tpu.dma_semaphore, #tpu.memory_space<semaphore_mem>>) src(%dma_wait3A_418 : memref<8x4096xf32, #tpu.memory_space<hbm>>) dst(%arg4 : memref<8x4096xf32, #tpu.memory_space<vmem>>)
    %add3A_419 = arith.constant 96 : i32
    %add3A_420 = arith.addi %mul3A_2, %add3A_419 : i32
    %dma_start3A_421 = arith.constant 0 : i32
    %dma_start3A_422 = arith.constant 0 : i32
    %dma_start3A_423 = tpu.memref_slice %arg3[%add3A_420, %dma_start3A_422] : memref<4096x4096xf32, #tpu.memory_space<hbm>> -> memref<8x4096xf32, #tpu.memory_space<hbm>>
    %dma_start3A_424 = tpu.memref_slice %arg8[%dma_start3A_421] : memref<3x!tpu.dma_semaphore, #tpu.memory_space<semaphore_mem>> -> memref<1x!tpu.dma_semaphore, #tpu.memory_space<semaphore_mem>>
    %dma_start3A_425 = tpu.memref_squeeze %dma_start3A_424 : memref<1x!tpu.dma_semaphore, #tpu.memory_space<semaphore_mem>> -> memref<!tpu.dma_semaphore, #tpu.memory_space<semaphore_mem>>
    %dma_start3A_426 = arith.constant 0 : i32
    %dma_start3A_427 = tpu.memref_slice %arg3[%add3A_420, %dma_start3A_426] : memref<4096x4096xf32, #tpu.memory_space<hbm>> -> memref<8x4096xf32, #tpu.memory_space<hbm>>
    tpu.enqueue_dma source(%arg4 : memref<8x4096xf32, #tpu.memory_space<vmem>>) target(%dma_start3A_427 : memref<8x4096xf32, #tpu.memory_space<hbm>>) target_semaphore(%dma_start3A_425 : memref<!tpu.dma_semaphore, #tpu.memory_space<semaphore_mem>>)
    %dma_wait3A_428 = arith.constant 0 : i32
    %dma_wait3A_429 = arith.constant 0 : i32
    %dma_wait3A_430 = tpu.memref_slice %arg3[%add3A_420, %dma_wait3A_429] : memref<4096x4096xf32, #tpu.memory_space<hbm>> -> memref<8x4096xf32, #tpu.memory_space<hbm>>
    %dma_wait3A_431 = tpu.memref_slice %arg8[%dma_wait3A_428] : memref<3x!tpu.dma_semaphore, #tpu.memory_space<semaphore_mem>> -> memref<1x!tpu.dma_semaphore, #tpu.memory_space<semaphore_mem>>
    %dma_wait3A_432 = tpu.memref_squeeze %dma_wait3A_431 : memref<1x!tpu.dma_semaphore, #tpu.memory_space<semaphore_mem>> -> memref<!tpu.dma_semaphore, #tpu.memory_space<semaphore_mem>>
    %dma_wait3A_433 = arith.constant 0 : i32
    %dma_wait3A_434 = tpu.memref_slice %arg3[%add3A_420, %dma_wait3A_433] : memref<4096x4096xf32, #tpu.memory_space<hbm>> -> memref<8x4096xf32, #tpu.memory_space<hbm>>
    tpu.wait_dma2 semaphore(%dma_wait3A_432 : memref<!tpu.dma_semaphore, #tpu.memory_space<semaphore_mem>>) src(%arg4 : memref<8x4096xf32, #tpu.memory_space<vmem>>) dst(%dma_wait3A_434 : memref<8x4096xf32, #tpu.memory_space<hbm>>)
    %add3A_435 = arith.constant 120 : i32
    %add3A_436 = arith.addi %mul3A_2, %add3A_435 : i32
    %dma_start3A_437 = arith.constant 0 : i32
    %dma_start3A_438 = arith.constant 0 : i32
    %dma_start3A_439 = tpu.memref_slice %arg2[%add3A_436, %dma_start3A_438] : memref<4096x4096xf32, #tpu.memory_space<hbm>> -> memref<8x4096xf32, #tpu.memory_space<hbm>>
    %dma_start3A_440 = tpu.memref_slice %arg7[%dma_start3A_437] : memref<3x!tpu.dma_semaphore, #tpu.memory_space<semaphore_mem>> -> memref<1x!tpu.dma_semaphore, #tpu.memory_space<semaphore_mem>>
    %dma_start3A_441 = tpu.memref_squeeze %dma_start3A_440 : memref<1x!tpu.dma_semaphore, #tpu.memory_space<semaphore_mem>> -> memref<!tpu.dma_semaphore, #tpu.memory_space<semaphore_mem>>
    %dma_start3A_442 = arith.constant 0 : i32
    %dma_start3A_443 = tpu.memref_slice %arg2[%add3A_436, %dma_start3A_442] : memref<4096x4096xf32, #tpu.memory_space<hbm>> -> memref<8x4096xf32, #tpu.memory_space<hbm>>
    tpu.enqueue_dma source(%dma_start3A_443 : memref<8x4096xf32, #tpu.memory_space<hbm>>) target(%arg4 : memref<8x4096xf32, #tpu.memory_space<vmem>>) target_semaphore(%dma_start3A_441 : memref<!tpu.dma_semaphore, #tpu.memory_space<semaphore_mem>>)
    %dma_wait3A_444 = arith.constant 1 : i32
    %dma_wait3A_445 = arith.constant 0 : i32
    %dma_wait3A_446 = tpu.memref_slice %arg2[%add3A_372, %dma_wait3A_445] : memref<4096x4096xf32, #tpu.memory_space<hbm>> -> memref<8x4096xf32, #tpu.memory_space<hbm>>
    %dma_wait3A_447 = tpu.memref_slice %arg7[%dma_wait3A_444] : memref<3x!tpu.dma_semaphore, #tpu.memory_space<semaphore_mem>> -> memref<1x!tpu.dma_semaphore, #tpu.memory_space<semaphore_mem>>
    %dma_wait3A_448 = tpu.memref_squeeze %dma_wait3A_447 : memref<1x!tpu.dma_semaphore, #tpu.memory_space<semaphore_mem>> -> memref<!tpu.dma_semaphore, #tpu.memory_space<semaphore_mem>>
    %dma_wait3A_449 = arith.constant 0 : i32
    %dma_wait3A_450 = tpu.memref_slice %arg2[%add3A_372, %dma_wait3A_449] : memref<4096x4096xf32, #tpu.memory_space<hbm>> -> memref<8x4096xf32, #tpu.memory_space<hbm>>
    tpu.wait_dma2 semaphore(%dma_wait3A_448 : memref<!tpu.dma_semaphore, #tpu.memory_space<semaphore_mem>>) src(%dma_wait3A_450 : memref<8x4096xf32, #tpu.memory_space<hbm>>) dst(%arg5 : memref<8x4096xf32, #tpu.memory_space<vmem>>)
    %add3A_451 = arith.constant 104 : i32
    %add3A_452 = arith.addi %mul3A_2, %add3A_451 : i32
    %dma_start3A_453 = arith.constant 1 : i32
    %dma_start3A_454 = arith.constant 0 : i32
    %dma_start3A_455 = tpu.memref_slice %arg3[%add3A_452, %dma_start3A_454] : memref<4096x4096xf32, #tpu.memory_space<hbm>> -> memref<8x4096xf32, #tpu.memory_space<hbm>>
    %dma_start3A_456 = tpu.memref_slice %arg8[%dma_start3A_453] : memref<3x!tpu.dma_semaphore, #tpu.memory_space<semaphore_mem>> -> memref<1x!tpu.dma_semaphore, #tpu.memory_space<semaphore_mem>>
    %dma_start3A_457 = tpu.memref_squeeze %dma_start3A_456 : memref<1x!tpu.dma_semaphore, #tpu.memory_space<semaphore_mem>> -> memref<!tpu.dma_semaphore, #tpu.memory_space<semaphore_mem>>
    %dma_start3A_458 = arith.constant 0 : i32
    %dma_start3A_459 = tpu.memref_slice %arg3[%add3A_452, %dma_start3A_458] : memref<4096x4096xf32, #tpu.memory_space<hbm>> -> memref<8x4096xf32, #tpu.memory_space<hbm>>
    tpu.enqueue_dma source(%arg5 : memref<8x4096xf32, #tpu.memory_space<vmem>>) target(%dma_start3A_459 : memref<8x4096xf32, #tpu.memory_space<hbm>>) target_semaphore(%dma_start3A_457 : memref<!tpu.dma_semaphore, #tpu.memory_space<semaphore_mem>>)
    %dma_wait3A_460 = arith.constant 2 : i32
    %dma_wait3A_461 = arith.constant 0 : i32
    %dma_wait3A_462 = tpu.memref_slice %arg2[%add3A_404, %dma_wait3A_461] : memref<4096x4096xf32, #tpu.memory_space<hbm>> -> memref<8x4096xf32, #tpu.memory_space<hbm>>
    %dma_wait3A_463 = tpu.memref_slice %arg7[%dma_wait3A_460] : memref<3x!tpu.dma_semaphore, #tpu.memory_space<semaphore_mem>> -> memref<1x!tpu.dma_semaphore, #tpu.memory_space<semaphore_mem>>
    %dma_wait3A_464 = tpu.memref_squeeze %dma_wait3A_463 : memref<1x!tpu.dma_semaphore, #tpu.memory_space<semaphore_mem>> -> memref<!tpu.dma_semaphore, #tpu.memory_space<semaphore_mem>>
    %dma_wait3A_465 = arith.constant 0 : i32
    %dma_wait3A_466 = tpu.memref_slice %arg2[%add3A_404, %dma_wait3A_465] : memref<4096x4096xf32, #tpu.memory_space<hbm>> -> memref<8x4096xf32, #tpu.memory_space<hbm>>
    tpu.wait_dma2 semaphore(%dma_wait3A_464 : memref<!tpu.dma_semaphore, #tpu.memory_space<semaphore_mem>>) src(%dma_wait3A_466 : memref<8x4096xf32, #tpu.memory_space<hbm>>) dst(%arg6 : memref<8x4096xf32, #tpu.memory_space<vmem>>)
    %add3A_467 = arith.constant 112 : i32
    %add3A_468 = arith.addi %mul3A_2, %add3A_467 : i32
    %dma_start3A_469 = arith.constant 2 : i32
    %dma_start3A_470 = arith.constant 0 : i32
    %dma_start3A_471 = tpu.memref_slice %arg3[%add3A_468, %dma_start3A_470] : memref<4096x4096xf32, #tpu.memory_space<hbm>> -> memref<8x4096xf32, #tpu.memory_space<hbm>>
    %dma_start3A_472 = tpu.memref_slice %arg8[%dma_start3A_469] : memref<3x!tpu.dma_semaphore, #tpu.memory_space<semaphore_mem>> -> memref<1x!tpu.dma_semaphore, #tpu.memory_space<semaphore_mem>>
    %dma_start3A_473 = tpu.memref_squeeze %dma_start3A_472 : memref<1x!tpu.dma_semaphore, #tpu.memory_space<semaphore_mem>> -> memref<!tpu.dma_semaphore, #tpu.memory_space<semaphore_mem>>
    %dma_start3A_474 = arith.constant 0 : i32
    %dma_start3A_475 = tpu.memref_slice %arg3[%add3A_468, %dma_start3A_474] : memref<4096x4096xf32, #tpu.memory_space<hbm>> -> memref<8x4096xf32, #tpu.memory_space<hbm>>
    tpu.enqueue_dma source(%arg6 : memref<8x4096xf32, #tpu.memory_space<vmem>>) target(%dma_start3A_475 : memref<8x4096xf32, #tpu.memory_space<hbm>>) target_semaphore(%dma_start3A_473 : memref<!tpu.dma_semaphore, #tpu.memory_space<semaphore_mem>>)
    %dma_wait3A_476 = arith.constant 0 : i32
    %dma_wait3A_477 = arith.constant 0 : i32
    %dma_wait3A_478 = tpu.memref_slice %arg2[%add3A_436, %dma_wait3A_477] : memref<4096x4096xf32, #tpu.memory_space<hbm>> -> memref<8x4096xf32, #tpu.memory_space<hbm>>
    %dma_wait3A_479 = tpu.memref_slice %arg7[%dma_wait3A_476] : memref<3x!tpu.dma_semaphore, #tpu.memory_space<semaphore_mem>> -> memref<1x!tpu.dma_semaphore, #tpu.memory_space<semaphore_mem>>
    %dma_wait3A_480 = tpu.memref_squeeze %dma_wait3A_479 : memref<1x!tpu.dma_semaphore, #tpu.memory_space<semaphore_mem>> -> memref<!tpu.dma_semaphore, #tpu.memory_space<semaphore_mem>>
    %dma_wait3A_481 = arith.constant 0 : i32
    %dma_wait3A_482 = tpu.memref_slice %arg2[%add3A_436, %dma_wait3A_481] : memref<4096x4096xf32, #tpu.memory_space<hbm>> -> memref<8x4096xf32, #tpu.memory_space<hbm>>
    tpu.wait_dma2 semaphore(%dma_wait3A_480 : memref<!tpu.dma_semaphore, #tpu.memory_space<semaphore_mem>>) src(%dma_wait3A_482 : memref<8x4096xf32, #tpu.memory_space<hbm>>) dst(%arg4 : memref<8x4096xf32, #tpu.memory_space<vmem>>)
    %add3A_483 = arith.constant 120 : i32
    %add3A_484 = arith.addi %mul3A_2, %add3A_483 : i32
    %dma_start3A_485 = arith.constant 0 : i32
    %dma_start3A_486 = arith.constant 0 : i32
    %dma_start3A_487 = tpu.memref_slice %arg3[%add3A_484, %dma_start3A_486] : memref<4096x4096xf32, #tpu.memory_space<hbm>> -> memref<8x4096xf32, #tpu.memory_space<hbm>>
    %dma_start3A_488 = tpu.memref_slice %arg8[%dma_start3A_485] : memref<3x!tpu.dma_semaphore, #tpu.memory_space<semaphore_mem>> -> memref<1x!tpu.dma_semaphore, #tpu.memory_space<semaphore_mem>>
    %dma_start3A_489 = tpu.memref_squeeze %dma_start3A_488 : memref<1x!tpu.dma_semaphore, #tpu.memory_space<semaphore_mem>> -> memref<!tpu.dma_semaphore, #tpu.memory_space<semaphore_mem>>
    %dma_start3A_490 = arith.constant 0 : i32
    %dma_start3A_491 = tpu.memref_slice %arg3[%add3A_484, %dma_start3A_490] : memref<4096x4096xf32, #tpu.memory_space<hbm>> -> memref<8x4096xf32, #tpu.memory_space<hbm>>
    tpu.enqueue_dma source(%arg4 : memref<8x4096xf32, #tpu.memory_space<vmem>>) target(%dma_start3A_491 : memref<8x4096xf32, #tpu.memory_space<hbm>>) target_semaphore(%dma_start3A_489 : memref<!tpu.dma_semaphore, #tpu.memory_space<semaphore_mem>>)
    %dma_wait3A_492 = arith.constant 1 : i32
    %dma_wait3A_493 = arith.constant 0 : i32
    %dma_wait3A_494 = tpu.memref_slice %arg3[%add3A_452, %dma_wait3A_493] : memref<4096x4096xf32, #tpu.memory_space<hbm>> -> memref<8x4096xf32, #tpu.memory_space<hbm>>
    %dma_wait3A_495 = tpu.memref_slice %arg8[%dma_wait3A_492] : memref<3x!tpu.dma_semaphore, #tpu.memory_space<semaphore_mem>> -> memref<1x!tpu.dma_semaphore, #tpu.memory_space<semaphore_mem>>
    %dma_wait3A_496 = tpu.memref_squeeze %dma_wait3A_495 : memref<1x!tpu.dma_semaphore, #tpu.memory_space<semaphore_mem>> -> memref<!tpu.dma_semaphore, #tpu.memory_space<semaphore_mem>>
    %dma_wait3A_497 = arith.constant 0 : i32
    %dma_wait3A_498 = tpu.memref_slice %arg3[%add3A_452, %dma_wait3A_497] : memref<4096x4096xf32, #tpu.memory_space<hbm>> -> memref<8x4096xf32, #tpu.memory_space<hbm>>
    tpu.wait_dma2 semaphore(%dma_wait3A_496 : memref<!tpu.dma_semaphore, #tpu.memory_space<semaphore_mem>>) src(%arg5 : memref<8x4096xf32, #tpu.memory_space<vmem>>) dst(%dma_wait3A_498 : memref<8x4096xf32, #tpu.memory_space<hbm>>)
    %dma_wait3A_499 = arith.constant 2 : i32
    %dma_wait3A_500 = arith.constant 0 : i32
    %dma_wait3A_501 = tpu.memref_slice %arg3[%add3A_468, %dma_wait3A_500] : memref<4096x4096xf32, #tpu.memory_space<hbm>> -> memref<8x4096xf32, #tpu.memory_space<hbm>>
    %dma_wait3A_502 = tpu.memref_slice %arg8[%dma_wait3A_499] : memref<3x!tpu.dma_semaphore, #tpu.memory_space<semaphore_mem>> -> memref<1x!tpu.dma_semaphore, #tpu.memory_space<semaphore_mem>>
    %dma_wait3A_503 = tpu.memref_squeeze %dma_wait3A_502 : memref<1x!tpu.dma_semaphore, #tpu.memory_space<semaphore_mem>> -> memref<!tpu.dma_semaphore, #tpu.memory_space<semaphore_mem>>
    %dma_wait3A_504 = arith.constant 0 : i32
    %dma_wait3A_505 = tpu.memref_slice %arg3[%add3A_468, %dma_wait3A_504] : memref<4096x4096xf32, #tpu.memory_space<hbm>> -> memref<8x4096xf32, #tpu.memory_space<hbm>>
    tpu.wait_dma2 semaphore(%dma_wait3A_503 : memref<!tpu.dma_semaphore, #tpu.memory_space<semaphore_mem>>) src(%arg6 : memref<8x4096xf32, #tpu.memory_space<vmem>>) dst(%dma_wait3A_505 : memref<8x4096xf32, #tpu.memory_space<hbm>>)
    %dma_wait3A_506 = arith.constant 0 : i32
    %dma_wait3A_507 = arith.constant 0 : i32
    %dma_wait3A_508 = tpu.memref_slice %arg3[%add3A_484, %dma_wait3A_507] : memref<4096x4096xf32, #tpu.memory_space<hbm>> -> memref<8x4096xf32, #tpu.memory_space<hbm>>
    %dma_wait3A_509 = tpu.memref_slice %arg8[%dma_wait3A_506] : memref<3x!tpu.dma_semaphore, #tpu.memory_space<semaphore_mem>> -> memref<1x!tpu.dma_semaphore, #tpu.memory_space<semaphore_mem>>
    %dma_wait3A_510 = tpu.memref_squeeze %dma_wait3A_509 : memref<1x!tpu.dma_semaphore, #tpu.memory_space<semaphore_mem>> -> memref<!tpu.dma_semaphore, #tpu.memory_space<semaphore_mem>>
    %dma_wait3A_511 = arith.constant 0 : i32
    %dma_wait3A_512 = tpu.memref_slice %arg3[%add3A_484, %dma_wait3A_511] : memref<4096x4096xf32, #tpu.memory_space<hbm>> -> memref<8x4096xf32, #tpu.memory_space<hbm>>
    tpu.wait_dma2 semaphore(%dma_wait3A_510 : memref<!tpu.dma_semaphore, #tpu.memory_space<semaphore_mem>>) src(%arg4 : memref<8x4096xf32, #tpu.memory_space<vmem>>) dst(%dma_wait3A_512 : memref<8x4096xf32, #tpu.memory_space<hbm>>)
    return
  }
}

</mosaic_0001>

<sc_bundles>
// kernel: kernel.3.cloned.1.call-start
scs
__scs_entry_jumppad:
0x0: {  	(pc) =	sbr.rel $0x88, $3  }
0x1: {  	(tag) =	ssettag $0x0;
	lr =	simm.s32 $0x1  }
0x2: {  	[smem:$0x3FA0] =	sst lr;
	_ =	strace $0xD0000000  }
0x3: {  	_ = 	snop  }
0x4: {  	_ = 	snop  }
0x5: {  	_ = 	snop  }
0x6: {  	_ = 	snop  }
0x7: {  	_ = 	snop  }
__scs_overlays_trampoline_lowered:
0x8: {  	[smem:$0x3FAF] =	sst s0  }
0x9: {  	[smem:$0x3FB0] =	sst s1  }
0xa: {  	[smem:$0x3FB1] =	sst s2  }
0xb: {  	[smem:$0x3FB2] =	sst s3  }
0xc: {  	[smem:$0x3FB3] =	sst s4  }
0xd: {  	[smem:$0x3FB4] =	sst s5  }
0xe: {  	[smem:$0x3FB5] =	sst s6  }
0xf: {  	[smem:$0x3FB6] =	sst s7  }
0x10: {  	[smem:$0x3FB7] =	sst s8  }
0x11: {  	[smem:$0x3FB8] =	sst s9;
	s0 =	simm.s32 @!p0 $0x0  }
0x12: {  	s1 =	sld [smem:$0x3F9E];
	s0 =	simm.s32 @p0 $0x1  }
0x13: {  	[smem:$0x3FB9] =	sst s0;
	s0 =	simm.s32 @!p1 $0x0  }
0x14: {  	s2 =	sld [smem:$0x3F9D];
	s0 =	simm.s32 @p1 $0x1  }
0x15: {  	[smem:$0x3FBA] =	sst s0;
	s0 =	simm.s32 @!p2 $0x0  }
0x16: {  	s3 =	sld [smem:$0x3FDB];
	s0 =	simm.s32 @p2 $0x1  }
0x17: {  	s4 =	simm.s32 $0x1BF5;
	[smem:$0x3FBC] =	sst s0  }
0x18: {  	s0 =	sld [smem:$0x3F9F];
	_ =	swait.ge [sflag:s4], $0x0  }
0x19: {  	s7 =	sld [smem:$0x3FA0]  }
0x1a: {  	s8 =	sadd.s32 $0xFFFFE003, lr  }
0x1b: {  	s9 =	sadd.s32 $0xFFFFFEF7, lr;
	s5 =	simm.s32 $0xFFFFFFFF;
	p2 =	slt.u32 s8, $0xFFFFF086  }
0x1c: {  	p1 =	slt.u32 s9, $0xF7A;
	s5 =	simm.s32 @!p2 $0x0  }
0x1d: {  	s5 =	simm.s32 @p1 $0x1;
	p0 =	seq.s32 s7, s2  }
0x1e: {  	s7 =	smul.u32 @!p0 $0xF7A, s2;
	p2 =	seq.s32 @!p0 s5, $0x0  }
0x1f: {  	s9 =	smul.u32 $0xF7A, s1;
	s8 =	simm.s32 @!p0 $0x1BF5;
	p2 =	por !p2, p0  }
0x20: {  	[sflag:s8] =	ssyncset.s32 @!p0 $0xFFFFF086;
	s6 =	sadd.s32 @!p0 s3, s7;
	s7 =	simm.s32 @!p0 $0x108  }
0x21: {  	s3 =	sadd.s32 s3, s9;
	s6 =	sadd.s32 @!p0 $0x88, s6;
	s7 =	simm.s32 @p2 $0x1082  }
0x22: {  	[simem:s7], [sflag:s8] =	dma.local @!p0 [hbm:s6], $0xF7A  }
0x23: {  	s9 =	sor.u32 $0xD0000000, s2;
	s6 =	simm.s32 $0x108;
	_ =	swait.ge @!p0 [sflag:s8], $0x0  }
0x24: {  	s3 =	sadd.s32 $0x88, s3;
	s6 =	simm.s32 @!p1 $0x1082;
	[sflag:s4] =	ssyncset.s32 $0xFFFFF086  }
0x25: {  	[simem:s6], [sflag:s4] =	dma.local [hbm:s3], $0xF7A  }
0x26: {  	[smem:$0x3FA0] =	sst s1;
	(tag) =	ssettag s2;
	_ =	strace s9  }
0x27: {  	s1 =	sld [smem:$0x3FB0]  }
0x28: {  	s2 =	sld [smem:$0x3FB1]  }
0x29: {  	s4 =	sld [smem:$0x3FB3]  }
0x2a: {  	p0 =	seq.s32 s5, $0x0;
	s5 =	sld [smem:$0x3FB4]  }
0x2b: {  	s6 =	sld [smem:$0x3FB5]  }
0x2c: {  	s7 =	sld [smem:$0x3FB6]  }
0x2d: {  	s3 =	simm.s32 $0x108;
	s8 =	sld [smem:$0x3FB7]  }
0x2e: {  	s3 =	simm.s32 @!p0 $0x1082;
	s9 =	sld [smem:$0x3FB8]  }
0x2f: {  	lr =	sadd.s32 s0, s3;
	s0 =	sld [smem:$0x3FAF]  }
0x30: {  	s3 =	sld [smem:$0x3FB2]  }
0x31: {  	[smem:$0x3FBB] =	sst s10  }
0x32: {  	s10 =	sld [smem:$0x3FB9];
	_ =	sdelay $0x3  }
0x33: {  	p0 =	seq.s32 s10, $0x1;
	s10 =	sld [smem:$0x3FBB];
	_ =	sdelay $0x3  }
0x34: {  	[smem:$0x3FBB] =	sst s10  }
0x35: {  	s10 =	sld [smem:$0x3FBA];
	_ =	sdelay $0x3  }
0x36: {  	p1 =	seq.s32 s10, $0x1;
	s10 =	sld [smem:$0x3FBB];
	_ =	sdelay $0x3  }
0x37: {  	[smem:$0x3FBB] =	sst s10  }
0x38: {  	s10 =	sld [smem:$0x3FBC]  }
0x39: {  	_ = 	snop;
	(pc) =	sbr.ind lr, $3  }
0x3a: {  	_ = 	snop  }
0x3b: {  	_ = 	snop  }
0x3c: {  	p2 =	seq.s32 s10, $0x1;
	s10 =	sld [smem:$0x3FBB]  }
0x3d: {  	_ =	shalt  }
0x3e: {  	_ =	shalt  }
0x3f: {  	_ =	shalt  }
0x40: {  	_ =	shalt  }
0x41: {  	_ =	shalt  }
0x42: {  	_ =	shalt  }
0x43: {  	_ =	shalt  }
0x44: {  	_ =	shalt  }
0x45: {  	_ =	shalt  }
0x46: {  	_ =	shalt  }
0x47: {  	_ =	shalt  }
0x48: {  	_ =	shalt  }
0x49: {  	_ =	shalt  }
0x4a: {  	_ =	shalt  }
0x4b: {  	_ =	shalt  }
0x4c: {  	_ =	shalt  }
0x4d: {  	_ =	shalt  }
0x4e: {  	_ =	shalt  }
0x4f: {  	_ =	shalt  }
0x50: {  	_ =	shalt  }
0x51: {  	_ =	shalt  }
0x52: {  	_ =	shalt  }
0x53: {  	_ =	shalt  }
0x54: {  	_ =	shalt  }
0x55: {  	_ =	shalt  }
0x56: {  	_ =	shalt  }
0x57: {  	_ =	shalt  }
0x58: {  	_ =	shalt  }
0x59: {  	_ =	shalt  }
0x5a: {  	_ =	shalt  }
0x5b: {  	_ =	shalt  }
0x5c: {  	_ =	shalt  }
0x5d: {  	_ =	shalt  }
0x5e: {  	_ =	shalt  }
0x5f: {  	_ =	shalt  }
0x60: {  	_ =	shalt  }
0x61: {  	_ =	shalt  }
0x62: {  	_ =	shalt  }
0x63: {  	_ =	shalt  }
0x64: {  	_ =	shalt  }
0x65: {  	_ =	shalt  }
0x66: {  	_ =	shalt  }
0x67: {  	_ =	shalt  }
0x68: {  	_ =	shalt  }
0x69: {  	_ =	shalt  }
0x6a: {  	_ =	shalt  }
0x6b: {  	_ =	shalt  }
0x6c: {  	_ =	shalt  }
0x6d: {  	_ =	shalt  }
0x6e: {  	_ =	shalt  }
0x6f: {  	_ =	shalt  }
0x70: {  	_ =	shalt  }
0x71: {  	_ =	shalt  }
0x72: {  	_ =	shalt  }
0x73: {  	_ =	shalt  }
0x74: {  	_ =	shalt  }
0x75: {  	_ =	shalt  }
0x76: {  	_ =	shalt  }
0x77: {  	_ =	shalt  }
0x78: {  	_ =	shalt  }
0x79: {  	_ =	shalt  }
0x7a: {  	_ =	shalt  }
0x7b: {  	_ =	shalt  }
0x7c: {  	_ =	shalt  }
0x7d: {  	_ =	shalt  }
0x7e: {  	_ =	shalt  }
0x7f: {  	_ =	shalt  }
0x80: {  	_ =	shalt  }
0x81: {  	_ =	shalt  }
0x82: {  	_ =	shalt  }
0x83: {  	_ =	shalt  }
0x84: {  	_ =	shalt  }
0x85: {  	_ =	shalt  }
0x86: {  	_ =	shalt  }
0x87: {  	_ =	shalt  }
.Lfunc_end0:
.L_simem_size_0:
called_computation_lowered:
.L_overlay_start_0:
0x88: {  	s2 =	sld [smem:$0x3FD9]  }
0x89: {  	s3 =	sld [smem:$0x3FFE];
	_ =	sdelay $0x1  }
0x8a: {  	s1 =	srdreg.scid  }
0x8b: {  	s0 =	sand.u32 $0x1, s1  }
0x8c: {  	s18 =	sshll.u32 s0, $0xA;
	s2 =	sadd.s32 s3, s2  }
0x8d: {  	s2 =	sadd.s32 s2, s18  }
0x8e: {  	[smem:$0x3FC7] =	sst s2  }
0x8f: {  	_ = 	snop  }
0x90: {  	s2 =	sld [smem:$0x3FC9]  }
0x91: {  	s19 =	sld [smem:$0x3FD0];
	(tm) =	ssettm $0x1  }
0x92: {  	s4 =	sld [smem:$0x3FFB];
	_ =	sdelay $0x3  }
0x93: {  	_ =	strace s4  }
0x94: {  	s4 =	sld [smem:$0x3FFC];
	_ =	sdelay $0x3  }
0x95: {  	_ =	strace s4  }
0x96: {  	s4 =	sld [smem:$0x3FFD];
	_ =	sdelay $0x3  }
0x97: {  	_ =	strace s4  }
0x98: {  	_ =	strace $0x8FFFFFFF  }
0x99: {  	s20 =	sld [smem:$0x3FDB];
	_ =	sdelay $0x1  }
0x9a: {  	s5 =	simm.s32 $_scs_section_size  }
0x9b: {  	s6 =	simm.s32 $_size__tile_overlayer_lowered;
	s7 =	simm.s32 $_tile_overlayer_lowered  }
0x9c: {  	s23 =	simm.s32 $0x1BFF;
	s22 =	sshll.u32 s7, $0x1;
	s4 =	sadd.s32 s5, s20  }
0x9d: {  	s8 =	simm.s32 $0x0;
	s21 =	sshll.u32 s6, $0x1;
	s6 =	sadd.s32 s22, s4  }
0x9e: {  	[timem:s8], [sflag:s23] =	dma.local [hbm:s6], s21  }
0x9f: {  	_ =	swait.ge [sflag:s23], s21  }
0xa0: {  	s5 =	ssub.s32 $0x0, s21;
	[sflag:s23] =	ssyncset.done $0x0  }
0xa1: {  	[sflag:s23] =	ssyncadd.s32 s5;
	_ =	sdelay $0x1  }
0xa2: {  	s24 =	simm.s32 $0x1B8B  }
0xa3: {  	_ =	swait.ge [sflag:s24], $0x1  }
0xa4: {  	[sflag:s24] =	ssyncset.done $0x0  }
0xa5: {  	s25 =	simm.s32 $0x1B8E;
	[sflag:s24] =	ssyncadd.s32 $0xFFFFFFFF  }
0xa6: {  	s26 =	simm.s32 $execute0_lowered;
	[smem:$0x3FD2] =	sst s25  }
0xa7: {  	s5 =	sshll.u32 s26, $0x1;
	_ =	strace $0x80000046;
	[dreg:$0x1] =	wrdreg $0xFFFFFFFF  }
0xa8: {  	s28 =	simm.s32 $_size_execute0_lowered;
	s4 =	sadd.s32 s4, s5;
	[dreg:$0x0] =	wrdreg $0x0  }
0xa9: {  	s5 =	sshll.u32 s28, $0x1;
	[dreg:$0x2] =	wrdreg s4  }
0xaa: {  	[dreg:$0x3] =	wrdreg s5  }
0xab: {  	[dreg:$0x4] =	wrdreg $0xC0  }
0xac: {  	_ =	task [dreg:s8], $0x5FFFF  }
0xad: {  	[dreg:$0x1] =	wrdreg $0xFFFFFFFF  }
0xae: {  	[dreg:$0x0] =	wrdreg $0x60  }
0xaf: {  	[dreg:$0x2] =	wrdreg s2  }
0xb0: {  	[dreg:$0x3] =	wrdreg s19  }
0xb1: {  	[dreg:$0x4] =	wrdreg $0x9  }
0xb2: {  	_ =	task.clear_ibuf [dreg:s8], $0x5FFFF;
	_ =	strace $0x90000046  }
0xb3: {  	s29 =	simm.s32 $0x9;
	_ =	strace $0x80000048  }
0xb4: {  	_ =	swait.ge [sflag:s29], $0x1  }
0xb5: {  	[sflag:s29] =	ssyncadd.s32 $0xFFFFFFFF  }
0xb6: {  	_ =	strace $0x90000048  }
0xb7: {  	_ =	sfence  }
0xb8: {  	s30 =	sld [smem:$0x0];
	_ =	sdelay $0x2  }
0xb9: {  	s31 =	sshll.u32 s1, $0xD;
	s1 =	sshrl.u32 s1, $0x2  }
0xba: {  	s3 =	sand.u32 $0x4000, s31;
	s1 =	sadd.s32 s1, s30  }
0xbb: {  	s0 =	sor.u32 s3, s0;
	s1 =	sshll.u32 s1, $0x11  }
0xbc: {  	s0 =	sor.u32 s1, s0  }
0xbd: {  	s0 =	sadd.s32 $0x8F2B, s0  }
0xbe: {  	[sflag:s0] =	ssyncadd.remote.s32 $0x1  }
0xbf: {  	_ =	sfence.sel $0xFFFF  }
0xc0: {  	[dreg:$0x0] =	wrdreg $0xFFFFFFFF;
	(pc) =	sbr.abs _section_cstart, $3  }
0xc1: {  	[dreg:$0x1] =	wrdreg $0xFFFFFFFF  }
0xc2: {  	_ =	task.clear_ibuf [dreg:s8], $0x2FFFF;
	_ =	strace $0x9FFFFFFF  }
0xc3: {  	(tm) =	ssettm $0x7FFFFFFF  }
tec
execute0_lowered:
.L_overlay_start_1:
0x0: {  	(tag) =	ssettag $0x1  }
0x1: {  	s28 =	rddreg [dreg:$0x0];
	s0 =	srdreg.scid  }
0x2: {  	s3 =	stileid.u32;
	s2 =	simm.s32 $0x0;
	s0 =	sand.u32 $0x1, s0  }
0x3: {  	s3 =	sshll.u32 s3, $0x11;
	[smem:$0x7FF] =	sst s2;
	s4 =	sshll.u32 s0, $0x10  }
0x4: {  	[dreg:$0x10] =	wrdreg s0;
	s29 =	sor.u32 s4, s3  }
0x5: {  	s1 =	rddreg [dreg:$0x1];
	_ =	strace $0x80000047;
	s3 =	sadd.s32 s28, s29  }
0x6: {  	s4 =	sor.u32 $0x1000, s29;
	s9 =	sadd.s32 s1, s29;
	[dreg:$0x3] =	wrdreg s3  }
0x7: {  	s5 =	sor.u32 $0x2000, s29;
	s7 =	sadd.s32 s28, s4;
	[dreg:$0x6] =	wrdreg s9  }
0x8: {  	s6 =	sor.u32 $0x3000, s29;
	s8 =	sadd.s32 s28, s5;
	[dreg:$0x4] =	wrdreg s7  }
0x9: {  	s10 =	sadd.s32 s28, s6;
	[dreg:$0x5] =	wrdreg s8  }
0xa: {  	s12 =	sor.u32 $0x4000, s29;
	s11 =	sadd.s32 s1, s4;
	[dreg:$0x7] =	wrdreg s10  }
0xb: {  	s13 =	sadd.s32 s28, s12;
	[dreg:$0x8] =	wrdreg s11  }
0xc: {  	s15 =	sor.u32 $0x5000, s29;
	s14 =	sadd.s32 s1, s5;
	[dreg:$0x9] =	wrdreg s13  }
0xd: {  	s16 =	sadd.s32 s28, s15;
	[dreg:$0xa] =	wrdreg s14  }
0xe: {  	s17 =	sadd.s32 s1, s6;
	[dreg:$0xb] =	wrdreg s16  }
0xf: {  	[dreg:$0xc] =	wrdreg s17  }
0x10: {  	s4 =	sadd.s32 s1, s12;
	s19 =	rddreg [dreg:$0x3]  }
0x11: {  	[dreg:$0xe] =	wrdreg s4  }
0x12: {  	s14 =	sor.u32 $0x6000, s29;
	s20 =	rddreg [dreg:$0x4]  }
0x13: {  	[tilespmem:s2], [sflag:$0x1] =	stream.linear.gather [hbm4b:s19+s2], $0x8000, $0x38;
	[tilespmem:$0x18000] =	vst v63  }
0x14: {  	s3 =	simm.s32 $0x8000;
	s18 =	sadd.s32 s28, s14;
	s7 =	rddreg [dreg:$0x5]  }
0x15: {  	[tilespmem:s3], [sflag:$0x2] =	stream.linear.gather [hbm4b:s20+s2], $0x8000, $0x38;
	[tilespmem:$0x18000] =	vst v63  }
0x16: {  	s5 =	simm.s32 $0x1;
	s4 =	simm.s32 $0x10000;
	[dreg:$0xd] =	wrdreg s18  }
0x17: {  	[tilespmem:s4], [sflag:$0x3] =	stream.linear.gather [hbm4b:s7+s2], $0x8000, $0x38;
	[tilespmem:$0x18000] =	vst v63  }
0x18: {  	_ =	swait.ge [sflag:s5], $0x8000  }
0x19: {  	[sflag:s5] =	ssyncset.done $0x0  }
0x1a: {  	s6 =	simm.s32 $0x4;
	s21 =	rddreg [dreg:$0x6];
	[sflag:s5] =	ssyncadd.s32 $0xFFFF8000  }
0x1b: {  	[hbm4b:s21+s2] =	stream.linear.scatter [tilespmem:s2], [sflag:$0x4], $0x8000, $0x38;
	[tilespmem:$0x18000] =	vst v63  }
0x1c: {  	_ =	swait.ge [sflag:s6], $0x8000  }
0x1d: {  	[sflag:s6] =	ssyncset.done $0x0  }
0x1e: {  	s7 =	simm.s32 $0x2;
	s8 =	rddreg [dreg:$0x7];
	[sflag:s6] =	ssyncadd.s32 $0xFFFF8000  }
0x1f: {  	[tilespmem:s2], [sflag:$0x1] =	stream.linear.gather [hbm4b:s8+s2], $0x8000, $0x38;
	[tilespmem:$0x18000] =	vst v63  }
0x20: {  	_ =	swait.ge [sflag:s7], $0x8000  }
0x21: {  	[sflag:s7] =	ssyncset.done $0x0  }
0x22: {  	s8 =	simm.s32 $0x5;
	s9 =	rddreg [dreg:$0x8];
	[sflag:s7] =	ssyncadd.s32 $0xFFFF8000  }
0x23: {  	[hbm4b:s9+s2] =	stream.linear.scatter [tilespmem:s3], [sflag:$0x5], $0x8000, $0x38;
	[tilespmem:$0x18000] =	vst v63  }
0x24: {  	_ =	swait.ge [sflag:s8], $0x8000  }
0x25: {  	[sflag:s8] =	ssyncset.done $0x0  }
0x26: {  	s9 =	simm.s32 $0x3;
	s10 =	rddreg [dreg:$0x9];
	[sflag:s8] =	ssyncadd.s32 $0xFFFF8000  }
0x27: {  	[tilespmem:s3], [sflag:$0x2] =	stream.linear.gather [hbm4b:s10+s2], $0x8000, $0x38;
	[tilespmem:$0x18000] =	vst v63  }
0x28: {  	_ =	swait.ge [sflag:s9], $0x8000  }
0x29: {  	[sflag:s9] =	ssyncset.done $0x0  }
0x2a: {  	s10 =	simm.s32 $0x6;
	s11 =	rddreg [dreg:$0xa];
	[sflag:s9] =	ssyncadd.s32 $0xFFFF8000  }
0x2b: {  	[hbm4b:s11+s2] =	stream.linear.scatter [tilespmem:s4], [sflag:$0x6], $0x8000, $0x38;
	[tilespmem:$0x18000] =	vst v63  }
0x2c: {  	_ =	swait.ge [sflag:s10], $0x8000  }
0x2d: {  	[sflag:s10] =	ssyncset.done $0x0  }
0x2e: {  	s22 =	rddreg [dreg:$0xb];
	[sflag:s10] =	ssyncadd.s32 $0xFFFF8000  }
0x2f: {  	[tilespmem:s4], [sflag:$0x3] =	stream.linear.gather [hbm4b:s22+s2], $0x8000, $0x38;
	[tilespmem:$0x18000] =	vst v63  }
0x30: {  	_ =	swait.ge [sflag:s5], $0x8000  }
0x31: {  	[sflag:s5] =	ssyncset.done $0x0  }
0x32: {  	s23 =	rddreg [dreg:$0xc];
	[sflag:s5] =	ssyncadd.s32 $0xFFFF8000  }
0x33: {  	[hbm4b:s23+s2] =	stream.linear.scatter [tilespmem:s2], [sflag:$0x4], $0x8000, $0x38;
	[tilespmem:$0x18000] =	vst v63  }
0x34: {  	_ =	swait.ge [sflag:s6], $0x8000  }
0x35: {  	[sflag:s6] =	ssyncset.done $0x0  }
0x36: {  	s24 =	rddreg [dreg:$0xd];
	[sflag:s6] =	ssyncadd.s32 $0xFFFF8000  }
0x37: {  	[tilespmem:s2], [sflag:$0x1] =	stream.linear.gather [hbm4b:s24+s2], $0x8000, $0x38;
	[tilespmem:$0x18000] =	vst v63  }
0x38: {  	_ =	swait.ge [sflag:s7], $0x8000  }
0x39: {  	[sflag:s7] =	ssyncset.done $0x0  }
0x3a: {  	s25 =	rddreg [dreg:$0xe];
	[sflag:s7] =	ssyncadd.s32 $0xFFFF8000  }
0x3b: {  	[hbm4b:s25+s2] =	stream.linear.scatter [tilespmem:s3], [sflag:$0x5], $0x8000, $0x38;
	[tilespmem:$0x18000] =	vst v63  }
0x3c: {  	s16 =	sor.u32 $0x7000, s29;
	_ =	swait.ge [sflag:s8], $0x8000  }
0x3d: {  	s26 =	sadd.s32 s28, s16;
	[sflag:s8] =	ssyncset.done $0x0  }
0x3e: {  	[dreg:$0xf] =	wrdreg s26;
	[sflag:s8] =	ssyncadd.s32 $0xFFFF8000  }
0x3f: {  	[tilespmem:s3], [sflag:$0x2] =	stream.linear.gather [hbm4b:s26+s2], $0x8000, $0x38;
	[tilespmem:$0x18000] =	vst v63  }
0x40: {  	_ =	swait.ge [sflag:s9], $0x8000  }
0x41: {  	[sflag:s9] =	ssyncset.done $0x0  }
0x42: {  	s0 =	sadd.s32 s1, s15;
	[sflag:s9] =	ssyncadd.s32 $0xFFFF8000  }
0x43: {  	[hbm4b:s0+s2] =	stream.linear.scatter [tilespmem:s4], [sflag:$0x6], $0x8000, $0x38;
	[tilespmem:$0x18000] =	vst v63  }
0x44: {  	_ =	swait.ge [sflag:s10], $0x8000  }
0x45: {  	s18 =	sor.u32 $0x8000, s29;
	[sflag:s10] =	ssyncset.done $0x0  }
0x46: {  	s13 =	sadd.s32 s28, s18;
	[sflag:s10] =	ssyncadd.s32 $0xFFFF8000  }
0x47: {  	[tilespmem:s4], [sflag:$0x3] =	stream.linear.gather [hbm4b:s13+s2], $0x8000, $0x38;
	[tilespmem:$0x18000] =	vst v63  }
0x48: {  	_ =	swait.ge [sflag:s5], $0x8000  }
0x49: {  	[sflag:s5] =	ssyncset.done $0x0  }
0x4a: {  	s14 =	sadd.s32 s1, s14;
	[sflag:s5] =	ssyncadd.s32 $0xFFFF8000  }
0x4b: {  	[hbm4b:s14+s2] =	stream.linear.scatter [tilespmem:s2], [sflag:$0x4], $0x8000, $0x38;
	[tilespmem:$0x18000] =	vst v63  }
0x4c: {  	_ =	swait.ge [sflag:s6], $0x8000  }
0x4d: {  	s20 =	sor.u32 $0x9000, s29;
	[sflag:s6] =	ssyncset.done $0x0  }
0x4e: {  	s15 =	sadd.s32 s28, s20;
	[sflag:s6] =	ssyncadd.s32 $0xFFFF8000  }
0x4f: {  	[tilespmem:s2], [sflag:$0x1] =	stream.linear.gather [hbm4b:s15+s2], $0x8000, $0x38;
	[tilespmem:$0x18000] =	vst v63  }
0x50: {  	_ =	swait.ge [sflag:s7], $0x8000  }
0x51: {  	[sflag:s7] =	ssyncset.done $0x0  }
0x52: {  	s16 =	sadd.s32 s1, s16;
	[sflag:s7] =	ssyncadd.s32 $0xFFFF8000  }
0x53: {  	[hbm4b:s16+s2] =	stream.linear.scatter [tilespmem:s3], [sflag:$0x5], $0x8000, $0x38;
	[tilespmem:$0x18000] =	vst v63  }
0x54: {  	_ =	swait.ge [sflag:s8], $0x8000  }
0x55: {  	s22 =	sor.u32 $0xA000, s29;
	[sflag:s8] =	ssyncset.done $0x0  }
0x56: {  	s17 =	sadd.s32 s28, s22;
	[sflag:s8] =	ssyncadd.s32 $0xFFFF8000  }
0x57: {  	[tilespmem:s3], [sflag:$0x2] =	stream.linear.gather [hbm4b:s17+s2], $0x8000, $0x38;
	[tilespmem:$0x18000] =	vst v63  }
0x58: {  	_ =	swait.ge [sflag:s9], $0x8000  }
0x59: {  	[sflag:s9] =	ssyncset.done $0x0  }
0x5a: {  	s18 =	sadd.s32 s1, s18;
	[sflag:s9] =	ssyncadd.s32 $0xFFFF8000  }
0x5b: {  	[hbm4b:s18+s2] =	stream.linear.scatter [tilespmem:s4], [sflag:$0x6], $0x8000, $0x38;
	[tilespmem:$0x18000] =	vst v63  }
0x5c: {  	_ =	swait.ge [sflag:s10], $0x8000  }
0x5d: {  	s24 =	sor.u32 $0xB000, s29;
	[sflag:s10] =	ssyncset.done $0x0  }
0x5e: {  	s19 =	sadd.s32 s28, s24;
	[sflag:s10] =	ssyncadd.s32 $0xFFFF8000  }
0x5f: {  	[tilespmem:s4], [sflag:$0x3] =	stream.linear.gather [hbm4b:s19+s2], $0x8000, $0x38;
	[tilespmem:$0x18000] =	vst v63  }
0x60: {  	_ =	swait.ge [sflag:s5], $0x8000  }
0x61: {  	[sflag:s5] =	ssyncset.done $0x0  }
0x62: {  	s20 =	sadd.s32 s1, s20;
	[sflag:s5] =	ssyncadd.s32 $0xFFFF8000  }
0x63: {  	[hbm4b:s20+s2] =	stream.linear.scatter [tilespmem:s2], [sflag:$0x4], $0x8000, $0x38;
	[tilespmem:$0x18000] =	vst v63  }
0x64: {  	_ =	swait.ge [sflag:s6], $0x8000  }
0x65: {  	s26 =	sor.u32 $0xC000, s29;
	[sflag:s6] =	ssyncset.done $0x0  }
0x66: {  	s21 =	sadd.s32 s28, s26;
	[sflag:s6] =	ssyncadd.s32 $0xFFFF8000  }
0x67: {  	[tilespmem:s2], [sflag:$0x1] =	stream.linear.gather [hbm4b:s21+s2], $0x8000, $0x38;
	[tilespmem:$0x18000] =	vst v63  }
0x68: {  	_ =	swait.ge [sflag:s7], $0x8000  }
0x69: {  	[sflag:s7] =	ssyncset.done $0x0  }
0x6a: {  	s22 =	sadd.s32 s1, s22;
	[sflag:s7] =	ssyncadd.s32 $0xFFFF8000  }
0x6b: {  	[hbm4b:s22+s2] =	stream.linear.scatter [tilespmem:s3], [sflag:$0x5], $0x8000, $0x38;
	[tilespmem:$0x18000] =	vst v63  }
0x6c: {  	_ =	swait.ge [sflag:s8], $0x8000  }
0x6d: {  	s30 =	sor.u32 $0xD000, s29;
	[sflag:s8] =	ssyncset.done $0x0  }
0x6e: {  	s23 =	sadd.s32 s28, s30;
	[sflag:s8] =	ssyncadd.s32 $0xFFFF8000  }
0x6f: {  	[tilespmem:s3], [sflag:$0x2] =	stream.linear.gather [hbm4b:s23+s2], $0x8000, $0x38;
	[tilespmem:$0x18000] =	vst v63  }
0x70: {  	_ =	swait.ge [sflag:s9], $0x8000  }
0x71: {  	[sflag:s9] =	ssyncset.done $0x0  }
0x72: {  	s24 =	sadd.s32 s1, s24;
	[sflag:s9] =	ssyncadd.s32 $0xFFFF8000  }
0x73: {  	[hbm4b:s24+s2] =	stream.linear.scatter [tilespmem:s4], [sflag:$0x6], $0x8000, $0x38;
	[tilespmem:$0x18000] =	vst v63  }
0x74: {  	_ =	swait.ge [sflag:s10], $0x8000  }
0x75: {  	s31 =	sor.u32 $0xE000, s29;
	[sflag:s10] =	ssyncset.done $0x0  }
0x76: {  	s25 =	sadd.s32 s28, s31;
	[sflag:s10] =	ssyncadd.s32 $0xFFFF8000  }
0x77: {  	[tilespmem:s4], [sflag:$0x3] =	stream.linear.gather [hbm4b:s25+s2], $0x8000, $0x38;
	[tilespmem:$0x18000] =	vst v63  }
0x78: {  	_ =	swait.ge [sflag:s5], $0x8000  }
0x79: {  	[sflag:s5] =	ssyncset.done $0x0  }
0x7a: {  	s26 =	sadd.s32 s1, s26;
	[sflag:s5] =	ssyncadd.s32 $0xFFFF8000  }
0x7b: {  	[hbm4b:s26+s2] =	stream.linear.scatter [tilespmem:s2], [sflag:$0x4], $0x8000, $0x38;
	[tilespmem:$0x18000] =	vst v63  }
0x7c: {  	_ =	swait.ge [sflag:s6], $0x8000  }
0x7d: {  	s11 =	sor.u32 $0xF000, s29;
	[sflag:s6] =	ssyncset.done $0x0  }
0x7e: {  	s28 =	sadd.s32 s28, s11;
	[sflag:s6] =	ssyncadd.s32 $0xFFFF8000  }
0x7f: {  	[tilespmem:s2], [sflag:$0x1] =	stream.linear.gather [hbm4b:s28+s2], $0x8000, $0x38;
	[tilespmem:$0x18000] =	vst v63  }
0x80: {  	_ =	swait.ge [sflag:s7], $0x8000  }
0x81: {  	[sflag:s7] =	ssyncset.done $0x0  }
0x82: {  	s29 =	sadd.s32 s1, s30;
	[sflag:s7] =	ssyncadd.s32 $0xFFFF8000  }
0x83: {  	[hbm4b:s29+s2] =	stream.linear.scatter [tilespmem:s3], [sflag:$0x5], $0x8000, $0x38;
	[tilespmem:$0x18000] =	vst v63  }
0x84: {  	_ =	swait.ge [sflag:s9], $0x8000  }
0x85: {  	[sflag:s9] =	ssyncset.done $0x0  }
0x86: {  	s30 =	sadd.s32 s1, s31;
	[sflag:s9] =	ssyncadd.s32 $0xFFFF8000  }
0x87: {  	[hbm4b:s30+s2] =	stream.linear.scatter [tilespmem:s4], [sflag:$0x6], $0x8000, $0x38;
	[tilespmem:$0x18000] =	vst v63  }
0x88: {  	_ =	swait.ge [sflag:s5], $0x8000  }
0x89: {  	[sflag:s5] =	ssyncset.done $0x0  }
0x8a: {  	s31 =	sadd.s32 s1, s11;
	[sflag:s5] =	ssyncadd.s32 $0xFFFF8000  }
0x8b: {  	[hbm4b:s31+s2] =	stream.linear.scatter [tilespmem:s2], [sflag:$0x4], $0x8000, $0x38;
	[tilespmem:$0x18000] =	vst v63  }
0x8c: {  	_ =	swait.ge [sflag:s8], $0x8000  }
0x8d: {  	s1 =	rddreg [dreg:$0x10]  }
0x8e: {  	s12 =	smov.u32 s0;
	s0 =	ssub.s32 $0x2, s1  }
0x8f: {  	s11 =	sshrl.u32 s0, $0x1  }
0x90: {  	s0 =	ssub.s32 s0, s11  }
0x91: {  	s0 =	smax.u32 s0, $0x1  }
0x92: {  	[sflag:s8] =	ssyncset.done $0x0;
	p0 =	sne.s32 s0, $0x1  }
.Ltmp0:
0x93: {  	[sflag:s8] =	ssyncadd.s32 $0xFFFF8000;
	(pc) =	sbr.rel @!p0 .LBB2_2-.Ltmp0, $4  }
0x94: {  	_ =	swait.ge [sflag:s10], $0x8000  }
0x95: {  	[sflag:s10] =	ssyncset.done $0x0  }
0x96: {  	[sflag:s10] =	ssyncadd.s32 $0xFFFF8000  }
0x97: {  	s0 =	sadd.s32 $0xFFFFFFFF, s0;
	_ =	swait.ge [sflag:s6], $0x8000  }
.LBB2_1:
0x98: {  	[sflag:s6] =	ssyncset.done $0x0  }
0x99: {  	s1 =	rddreg [dreg:$0x3];
	[sflag:s6] =	ssyncadd.s32 $0xFFFF8000  }
0x9a: {  	[tilespmem:s2], [sflag:$0x1] =	stream.linear.gather [hbm4b:s1+s2], $0x8000, $0x38;
	[tilespmem:$0x18000] =	vst v63  }
0x9b: {  	s11 =	rddreg [dreg:$0x4]  }
0x9c: {  	[tilespmem:s3], [sflag:$0x2] =	stream.linear.gather [hbm4b:s11+s2], $0x8000, $0x38;
	[tilespmem:$0x18000] =	vst v63  }
0x9d: {  	s1 =	rddreg [dreg:$0x5]  }
0x9e: {  	[tilespmem:s4], [sflag:$0x3] =	stream.linear.gather [hbm4b:s1+s2], $0x8000, $0x38;
	[tilespmem:$0x18000] =	vst v63  }
0x9f: {  	_ =	swait.ge [sflag:s5], $0x8000  }
0xa0: {  	[sflag:s5] =	ssyncset.done $0x0  }
0xa1: {  	s11 =	rddreg [dreg:$0x6];
	[sflag:s5] =	ssyncadd.s32 $0xFFFF8000  }
0xa2: {  	[hbm4b:s11+s2] =	stream.linear.scatter [tilespmem:s2], [sflag:$0x4], $0x8000, $0x38;
	[tilespmem:$0x18000] =	vst v63  }
0xa3: {  	_ =	swait.ge [sflag:s6], $0x8000  }
0xa4: {  	[sflag:s6] =	ssyncset.done $0x0  }
0xa5: {  	s11 =	rddreg [dreg:$0x7];
	[sflag:s6] =	ssyncadd.s32 $0xFFFF8000  }
0xa6: {  	[tilespmem:s2], [sflag:$0x1] =	stream.linear.gather [hbm4b:s11+s2], $0x8000, $0x38;
	[tilespmem:$0x18000] =	vst v63  }
0xa7: {  	_ =	swait.ge [sflag:s7], $0x8000  }
0xa8: {  	[sflag:s7] =	ssyncset.done $0x0  }
0xa9: {  	s11 =	rddreg [dreg:$0x8];
	[sflag:s7] =	ssyncadd.s32 $0xFFFF8000  }
0xaa: {  	[hbm4b:s11+s2] =	stream.linear.scatter [tilespmem:s3], [sflag:$0x5], $0x8000, $0x38;
	[tilespmem:$0x18000] =	vst v63  }
0xab: {  	_ =	swait.ge [sflag:s8], $0x8000  }
0xac: {  	[sflag:s8] =	ssyncset.done $0x0  }
0xad: {  	s11 =	rddreg [dreg:$0x9];
	[sflag:s8] =	ssyncadd.s32 $0xFFFF8000  }
0xae: {  	[tilespmem:s3], [sflag:$0x2] =	stream.linear.gather [hbm4b:s11+s2], $0x8000, $0x38;
	[tilespmem:$0x18000] =	vst v63  }
0xaf: {  	_ =	swait.ge [sflag:s9], $0x8000  }
0xb0: {  	[sflag:s9] =	ssyncset.done $0x0  }
0xb1: {  	s11 =	rddreg [dreg:$0xa];
	[sflag:s9] =	ssyncadd.s32 $0xFFFF8000  }
0xb2: {  	[hbm4b:s11+s2] =	stream.linear.scatter [tilespmem:s4], [sflag:$0x6], $0x8000, $0x38;
	[tilespmem:$0x18000] =	vst v63  }
0xb3: {  	_ =	swait.ge [sflag:s10], $0x8000  }
0xb4: {  	[sflag:s10] =	ssyncset.done $0x0  }
0xb5: {  	s11 =	rddreg [dreg:$0xb];
	[sflag:s10] =	ssyncadd.s32 $0xFFFF8000  }
0xb6: {  	[tilespmem:s4], [sflag:$0x3] =	stream.linear.gather [hbm4b:s11+s2], $0x8000, $0x38;
	[tilespmem:$0x18000] =	vst v63  }
0xb7: {  	_ =	swait.ge [sflag:s5], $0x8000  }
0xb8: {  	[sflag:s5] =	ssyncset.done $0x0  }
0xb9: {  	s11 =	rddreg [dreg:$0xc];
	[sflag:s5] =	ssyncadd.s32 $0xFFFF8000  }
0xba: {  	[hbm4b:s11+s2] =	stream.linear.scatter [tilespmem:s2], [sflag:$0x4], $0x8000, $0x38;
	[tilespmem:$0x18000] =	vst v63  }
0xbb: {  	_ =	swait.ge [sflag:s6], $0x8000  }
0xbc: {  	[sflag:s6] =	ssyncset.done $0x0  }
0xbd: {  	s11 =	rddreg [dreg:$0xd];
	[sflag:s6] =	ssyncadd.s32 $0xFFFF8000  }
0xbe: {  	[tilespmem:s2], [sflag:$0x1] =	stream.linear.gather [hbm4b:s11+s2], $0x8000, $0x38;
	[tilespmem:$0x18000] =	vst v63  }
0xbf: {  	_ =	swait.ge [sflag:s7], $0x8000  }
0xc0: {  	[sflag:s7] =	ssyncset.done $0x0  }
0xc1: {  	s11 =	rddreg [dreg:$0xe];
	[sflag:s7] =	ssyncadd.s32 $0xFFFF8000  }
0xc2: {  	[hbm4b:s11+s2] =	stream.linear.scatter [tilespmem:s3], [sflag:$0x5], $0x8000, $0x38;
	[tilespmem:$0x18000] =	vst v63  }
0xc3: {  	_ =	swait.ge [sflag:s8], $0x8000  }
0xc4: {  	[sflag:s8] =	ssyncset.done $0x0  }
0xc5: {  	s11 =	rddreg [dreg:$0xf];
	[sflag:s8] =	ssyncadd.s32 $0xFFFF8000  }
0xc6: {  	[tilespmem:s3], [sflag:$0x2] =	stream.linear.gather [hbm4b:s11+s2], $0x8000, $0x38;
	[tilespmem:$0x18000] =	vst v63  }
0xc7: {  	_ =	swait.ge [sflag:s9], $0x8000  }
0xc8: {  	[sflag:s9] =	ssyncset.done $0x0  }
0xc9: {  	[sflag:s9] =	ssyncadd.s32 $0xFFFF8000  }
0xca: {  	[hbm4b:s12+s2] =	stream.linear.scatter [tilespmem:s4], [sflag:$0x6], $0x8000, $0x38;
	[tilespmem:$0x18000] =	vst v63  }
0xcb: {  	_ =	swait.ge [sflag:s10], $0x8000  }
0xcc: {  	[sflag:s10] =	ssyncset.done $0x0  }
0xcd: {  	[sflag:s10] =	ssyncadd.s32 $0xFFFF8000  }
0xce: {  	[tilespmem:s4], [sflag:$0x3] =	stream.linear.gather [hbm4b:s13+s2], $0x8000, $0x38;
	[tilespmem:$0x18000] =	vst v63  }
0xcf: {  	_ =	swait.ge [sflag:s5], $0x8000  }
0xd0: {  	[sflag:s5] =	ssyncset.done $0x0  }
0xd1: {  	[sflag:s5] =	ssyncadd.s32 $0xFFFF8000  }
0xd2: {  	[hbm4b:s14+s2] =	stream.linear.scatter [tilespmem:s2], [sflag:$0x4], $0x8000, $0x38;
	[tilespmem:$0x18000] =	vst v63  }
0xd3: {  	_ =	swait.ge [sflag:s6], $0x8000  }
0xd4: {  	[sflag:s6] =	ssyncset.done $0x0  }
0xd5: {  	[sflag:s6] =	ssyncadd.s32 $0xFFFF8000  }
0xd6: {  	[tilespmem:s2], [sflag:$0x1] =	stream.linear.gather [hbm4b:s15+s2], $0x8000, $0x38;
	[tilespmem:$0x18000] =	vst v63  }
0xd7: {  	_ =	swait.ge [sflag:s7], $0x8000  }
0xd8: {  	[sflag:s7] =	ssyncset.done $0x0  }
0xd9: {  	[sflag:s7] =	ssyncadd.s32 $0xFFFF8000  }
0xda: {  	[hbm4b:s16+s2] =	stream.linear.scatter [tilespmem:s3], [sflag:$0x5], $0x8000, $0x38;
	[tilespmem:$0x18000] =	vst v63  }
0xdb: {  	_ =	swait.ge [sflag:s8], $0x8000  }
0xdc: {  	[sflag:s8] =	ssyncset.done $0x0  }
0xdd: {  	[sflag:s8] =	ssyncadd.s32 $0xFFFF8000  }
0xde: {  	[tilespmem:s3], [sflag:$0x2] =	stream.linear.gather [hbm4b:s17+s2], $0x8000, $0x38;
	[tilespmem:$0x18000] =	vst v63  }
0xdf: {  	_ =	swait.ge [sflag:s9], $0x8000  }
0xe0: {  	[sflag:s9] =	ssyncset.done $0x0  }
0xe1: {  	[sflag:s9] =	ssyncadd.s32 $0xFFFF8000  }
0xe2: {  	[hbm4b:s18+s2] =	stream.linear.scatter [tilespmem:s4], [sflag:$0x6], $0x8000, $0x38;
	[tilespmem:$0x18000] =	vst v63  }
0xe3: {  	_ =	swait.ge [sflag:s10], $0x8000  }
0xe4: {  	[sflag:s10] =	ssyncset.done $0x0  }
0xe5: {  	[sflag:s10] =	ssyncadd.s32 $0xFFFF8000  }
0xe6: {  	[tilespmem:s4], [sflag:$0x3] =	stream.linear.gather [hbm4b:s19+s2], $0x8000, $0x38;
	[tilespmem:$0x18000] =	vst v63  }
0xe7: {  	_ =	swait.ge [sflag:s5], $0x8000  }
0xe8: {  	[sflag:s5] =	ssyncset.done $0x0  }
0xe9: {  	[sflag:s5] =	ssyncadd.s32 $0xFFFF8000  }
0xea: {  	[hbm4b:s20+s2] =	stream.linear.scatter [tilespmem:s2], [sflag:$0x4], $0x8000, $0x38;
	[tilespmem:$0x18000] =	vst v63  }
0xeb: {  	_ =	swait.ge [sflag:s6], $0x8000  }
0xec: {  	[sflag:s6] =	ssyncset.done $0x0  }
0xed: {  	[sflag:s6] =	ssyncadd.s32 $0xFFFF8000  }
0xee: {  	[tilespmem:s2], [sflag:$0x1] =	stream.linear.gather [hbm4b:s21+s2], $0x8000, $0x38;
	[tilespmem:$0x18000] =	vst v63  }
0xef: {  	_ =	swait.ge [sflag:s7], $0x8000  }
0xf0: {  	[sflag:s7] =	ssyncset.done $0x0  }
0xf1: {  	[sflag:s7] =	ssyncadd.s32 $0xFFFF8000  }
0xf2: {  	[hbm4b:s22+s2] =	stream.linear.scatter [tilespmem:s3], [sflag:$0x5], $0x8000, $0x38;
	[tilespmem:$0x18000] =	vst v63  }
0xf3: {  	_ =	swait.ge [sflag:s8], $0x8000  }
0xf4: {  	[sflag:s8] =	ssyncset.done $0x0  }
0xf5: {  	[sflag:s8] =	ssyncadd.s32 $0xFFFF8000  }
0xf6: {  	[tilespmem:s3], [sflag:$0x2] =	stream.linear.gather [hbm4b:s23+s2], $0x8000, $0x38;
	[tilespmem:$0x18000] =	vst v63  }
0xf7: {  	_ =	swait.ge [sflag:s9], $0x8000  }
0xf8: {  	[sflag:s9] =	ssyncset.done $0x0  }
0xf9: {  	[sflag:s9] =	ssyncadd.s32 $0xFFFF8000  }
0xfa: {  	[hbm4b:s24+s2] =	stream.linear.scatter [tilespmem:s4], [sflag:$0x6], $0x8000, $0x38;
	[tilespmem:$0x18000] =	vst v63  }
0xfb: {  	_ =	swait.ge [sflag:s10], $0x8000  }
0xfc: {  	[sflag:s10] =	ssyncset.done $0x0  }
0xfd: {  	[sflag:s10] =	ssyncadd.s32 $0xFFFF8000  }
0xfe: {  	[tilespmem:s4], [sflag:$0x3] =	stream.linear.gather [hbm4b:s25+s2], $0x8000, $0x38;
	[tilespmem:$0x18000] =	vst v63  }
0xff: {  	_ =	swait.ge [sflag:s5], $0x8000  }
0x100: {  	[sflag:s5] =	ssyncset.done $0x0  }
0x101: {  	[sflag:s5] =	ssyncadd.s32 $0xFFFF8000  }
0x102: {  	[hbm4b:s26+s2] =	stream.linear.scatter [tilespmem:s2], [sflag:$0x4], $0x8000, $0x38;
	[tilespmem:$0x18000] =	vst v63  }
0x103: {  	_ =	swait.ge [sflag:s6], $0x8000  }
0x104: {  	[sflag:s6] =	ssyncset.done $0x0  }
0x105: {  	[sflag:s6] =	ssyncadd.s32 $0xFFFF8000  }
0x106: {  	[tilespmem:s2], [sflag:$0x1] =	stream.linear.gather [hbm4b:s28+s2], $0x8000, $0x38;
	[tilespmem:$0x18000] =	vst v63  }
0x107: {  	_ =	swait.ge [sflag:s7], $0x8000  }
0x108: {  	[sflag:s7] =	ssyncset.done $0x0  }
0x109: {  	[sflag:s7] =	ssyncadd.s32 $0xFFFF8000  }
0x10a: {  	[hbm4b:s29+s2] =	stream.linear.scatter [tilespmem:s3], [sflag:$0x5], $0x8000, $0x38;
	[tilespmem:$0x18000] =	vst v63  }
0x10b: {  	_ =	swait.ge [sflag:s9], $0x8000  }
0x10c: {  	[sflag:s9] =	ssyncset.done $0x0  }
0x10d: {  	[sflag:s9] =	ssyncadd.s32 $0xFFFF8000  }
0x10e: {  	[hbm4b:s30+s2] =	stream.linear.scatter [tilespmem:s4], [sflag:$0x6], $0x8000, $0x38;
	[tilespmem:$0x18000] =	vst v63  }
0x10f: {  	_ =	swait.ge [sflag:s5], $0x8000  }
0x110: {  	[sflag:s5] =	ssyncset.done $0x0  }
0x111: {  	[sflag:s5] =	ssyncadd.s32 $0xFFFF8000  }
0x112: {  	[hbm4b:s31+s2] =	stream.linear.scatter [tilespmem:s2], [sflag:$0x4], $0x8000, $0x38;
	[tilespmem:$0x18000] =	vst v63  }
0x113: {  	_ =	swait.ge [sflag:s8], $0x8000  }
0x114: {  	p0 =	sne.s32 s0, $0x1;
	[sflag:s8] =	ssyncset.done $0x0  }
.Ltmp1:
0x115: {  	[sflag:s8] =	ssyncadd.s32 $0xFFFF8000;
	(pc) =	sbr.rel @p0 .LBB2_1-.Ltmp1, $4  }
0x116: {  	_ =	swait.ge [sflag:s10], $0x8000  }
0x117: {  	[sflag:s10] =	ssyncset.done $0x0  }
0x118: {  	[sflag:s10] =	ssyncadd.s32 $0xFFFF8000  }
0x119: {  	s0 =	sadd.s32 $0xFFFFFFFF, s0;
	_ =	swait.ge [sflag:s6], $0x8000  }
.LBB2_2:
0x11a: {  	[sflag:s6] =	ssyncset.done $0x0  }
0x11b: {  	[sflag:s6] =	ssyncadd.s32 $0xFFFF8000  }
0x11c: {  	_ =	sfence.sel $0x180000  }
0x11d: {  	[bflag:$0x0] =	sbarrier.arrive $0xFFFF  }
0x11e: {  	_ =	strace $0x90000047  }
0x11f: {  	s0 =	stileid.u32;
	[bflag:$0x2] =	sbarrier.arrive $0xFFFF  }
0x120: {  	p0 =	sne.s32 s0, $0x0;
	s0 =	rddreg [dreg:$0x2]  }
0x121: {  	s0 =	sadd.s32 @!p0 $0x100000, s0  }
0x122: {  	[sflag:s0] =	ssyncadd.tile.s32 @!p0 $0x1;
	_ =	shalt  }
.Lfunc_end2:
_tile_overlayer_lowered:
.L_overlay_start_2:
0x123: {  	(tag) =	ssettag $0x2  }
0x124: {  	s0 =	rddreg [dreg:$0x0];
	s2 =	stileid.u32  }
0x125: {  	s1 =	rddreg [dreg:$0x1];
	p0 =	sne.s32 s2, $0x0  }
0x126: {  	s3 =	rddreg [dreg:$0x2];
	[bflag:$0x3] =	sbarrier.arrive $0xFFFF;
	s2 =	simm.s32 @!p0 $0x1C07  }
0x127: {  	[timem:s3], [sflag:s2] =	dma.local @!p0 [hbm:s0], s1  }
0x128: {  	s0 =	simm.s32 @!p0 $0x7  }
0x129: {  	_ =	swait.ge @!p0 [sflag:s0], s1  }
0x12a: {  	s1 =	ssub.s32 @!p0 $0x0, s1;
	[sflag:s0] =	ssyncset.done @!p0 $0x0  }
0x12b: {  	[sflag:s0] =	ssyncadd.s32 @!p0 s1  }
0x12c: {  	[bflag:$0x3] =	sbarrier.arrive $0xFFFF  }
0x12d: {  	_ =	shalt  }

</sc_bundles>
